<compile_context>
chip_gen: v7x
topology: tpu7x:2x2x1
jax: 0.10.2.dev20260603
libtpu: 0.0.44.dev20260713+nightly
codegen_flags: <defaults>
</compile_context>

<pallas_src>
import functools

import jax
import jax.numpy as jnp
from jax import lax
from jax.experimental import pallas as pl
from jax.experimental.pallas import tpu as pltpu
from jax.experimental.pallas import tpu_sc as plsc

_COUNTS = 1000
_CB = 32
_N = 20000
_NPAD = 20480
_NW = 32
_PER_W = _NPAD // _NW
_MAGIC = 12582912.0


def _sat_body(x_ref, m_ref, s_ref, acc_ref, t_ref):
    i = pl.program_id(0)

    @pl.when(i == 0)
    def _():
        acc_ref[...] = jnp.zeros_like(acc_ref)

    acc0 = acc_ref[...]

    def fold(c, acc):
        xc = x_ref[c]
        mc = m_ref[pl.ds(c, 1), :]
        return acc + jnp.abs(xc - mc)

    acc_ref[...] = jax.lax.fori_loop(0, _CB, fold, acc0)

    @pl.when(i == (256 // _CB) - 1)
    def _():
        def vfold(r, acc):
            acc = acc + acc_ref[pl.ds(r, 1), :]
            t_ref[pl.ds(r, 1), :] = acc
            return acc

        jax.lax.fori_loop(0, 128, vfold, jnp.zeros((1, 128), jnp.float32),
                          unroll=8)
        acc_ref[...] = jnp.transpose(t_ref[...])

        def hfold(r, acc):
            acc = acc + acc_ref[pl.ds(r, 1), :]
            t_ref[pl.ds(r, 1), :] = acc
            return acc

        jax.lax.fori_loop(0, 128, hfold, jnp.zeros((1, 128), jnp.float32),
                          unroll=8)
        s_ref[...] = jnp.zeros_like(s_ref)
        s_ref[1:129, 1:129] = jnp.transpose(t_ref[...])


def _sat(feature_map, m):
    fm = feature_map.reshape(256, 128, 128)
    S = pl.pallas_call(
        _sat_body,
        grid=(256 // _CB,),
        in_specs=[pl.BlockSpec((_CB, 128, 128), lambda i: (i, 0, 0)),
                  pl.BlockSpec((_CB, 1), lambda i: (i, 0))],
        out_specs=pl.BlockSpec((129, 129), lambda i: (0, 0)),
        out_shape=jax.ShapeDtypeStruct((129, 129), jnp.float32),
        scratch_shapes=[pltpu.VMEM((128, 128), jnp.float32),
                        pltpu.VMEM((128, 128), jnp.float32)],
    )(fm, m.reshape(256, 1))
    return S[None]


def _heat_sc_body(s_hbm, an_hbm, out_hbm, s_v, a_v, heat_v):
    wid = lax.axis_index("s") * 2 + lax.axis_index("c")
    base = wid * _PER_W
    pltpu.sync_copy(s_hbm, s_v)
    for comp in range(4):
        pltpu.sync_copy(an_hbm.at[comp, pl.ds(base, _PER_W)], a_v.at[comp])

    def step(j, _):
        off = j * 16

        def coord(comp):
            v = a_v[comp, pl.ds(off, 16)] * 128.0
            r = (v + _MAGIC) - _MAGIC
            return jnp.clip(r.astype(jnp.int32), 0, 128)

        y1 = coord(0)
        x1 = coord(1)
        y2 = coord(2)
        x2 = coord(3)
        r1 = y1 * 129
        r2 = y2 * 129
        g22 = plsc.load_gather(s_v, [r2 + x2])
        g12 = plsc.load_gather(s_v, [r1 + x2])
        g21 = plsc.load_gather(s_v, [r2 + x1])
        g11 = plsc.load_gather(s_v, [r1 + x1])
        s = ((g22 - g12) - g21) + g11
        numel = jnp.maximum(y2 - y1, 0) * jnp.maximum(x2 - x1, 0)
        heat = s / numel.astype(jnp.float32)
        gidx = base + off + lax.iota(jnp.int32, 16)
        heat = jnp.where(gidx < _N, heat, jnp.float32(-3.0e38))
        heat_v[pl.ds(off, 16)] = heat
        return 0

    lax.fori_loop(0, _PER_W // 16, step, 0)
    pltpu.sync_copy(heat_v, out_hbm.at[pl.ds(base, _PER_W)])


def _heat_sc(S1d, an4):
    mesh = plsc.VectorSubcoreMesh(core_axis_name="c", subcore_axis_name="s")
    k = functools.partial(
        pl.kernel,
        mesh=mesh,
        out_type=jax.ShapeDtypeStruct((_NPAD,), jnp.float32),
        scratch_types=[
            pltpu.VMEM((129 * 129,), jnp.float32),
            pltpu.VMEM((4, _PER_W), jnp.float32),
            pltpu.VMEM((_PER_W,), jnp.float32),
        ],
        compiler_params=pltpu.CompilerParams(needs_layout_passes=False),
    )(_heat_sc_body)
    return k(S1d, an4)


_INT_MIN = -2147483648


def _dot(a, b, dn=(((1,), (0,)), ((), ()))):
    return jax.lax.dot_general(a, b, dimension_numbers=dn,
                               precision=jax.lax.Precision.HIGHEST,
                               preferred_element_type=jnp.float32)


def _sel_body(h_ref, dst_ref):
    h = h_ref[...]
    bits = jax.lax.bitcast_convert_type(h, jnp.int32)
    key = bits ^ (jax.lax.shift_right_arithmetic(bits, 31) & 0x7FFFFFFF)

    def bstep(k, tu):
        bit = jax.lax.shift_left(jnp.int32(1), 31 - k)
        cand = (tu | bit) ^ _INT_MIN
        cnt = jnp.sum((key >= cand).astype(jnp.int32))
        return jnp.where(cnt >= _COUNTS, tu | bit, tu)

    tu = jax.lax.fori_loop(0, 32, bstep, jnp.int32(0))
    t = tu ^ _INT_MIN
    gt = key > t
    eq = key == t
    r = (_COUNTS - jnp.sum(gt.astype(jnp.int32))).astype(jnp.float32)

    im = jax.lax.broadcasted_iota(jnp.int32, (128, 128), 0)
    il = jax.lax.broadcasted_iota(jnp.int32, (128, 128), 1)
    lower = (im < il).astype(jnp.float32)
    ir = jax.lax.broadcasted_iota(jnp.int32, (160, 160), 0)
    jr = jax.lax.broadcasted_iota(jnp.int32, (160, 160), 1)
    rtri = (jr < ir).astype(jnp.float32)

    def exclusive_prefix(mask_f):
        ex_in = _dot(mask_f, lower)
        rowtot = jnp.sum(mask_f, axis=1, keepdims=True)
        rowoff = _dot(rtri, rowtot)
        return rowoff + ex_in

    eqf = eq.astype(jnp.float32)
    eqrank = exclusive_prefix(eqf)
    sel = gt | (eq & (eqrank < r))
    self_f = sel.astype(jnp.float32)
    dst = exclusive_prefix(self_f)
    dst_ref[...] = jnp.where(sel, dst, 4000.0)


def _select(heat2d):
    return pl.pallas_call(
        _sel_body,
        out_shape=jax.ShapeDtypeStruct((160, 128), jnp.float32),
    )(heat2d)


def _order_body(d_ref, p_ref, out_ref, c_ref):
    i = pl.program_id(0)

    @pl.when(i == 0)
    def _():
        c_ref[...] = jnp.zeros_like(c_ref)

    d = d_ref[...]
    p = p_ref[...]
    kio = jax.lax.broadcasted_iota(jnp.int32, (1, 128), 1)
    for kc in range(8):
        oh = (d == (kio + kc * 128).astype(jnp.float32)).astype(jnp.float32)
        part = _dot(oh, p, dn=(((0,), (0,)), ((), ())))
        c_ref[kc * 128:(kc + 1) * 128, :] += part

    @pl.when(i == (_NPAD // 1024) - 1)
    def _():
        cm = c_ref[...]
        rio = jax.lax.broadcasted_iota(jnp.int32, (1024, 8), 0)
        cio = jax.lax.broadcasted_iota(jnp.int32, (1024, 8), 1)
        pad = rio >= _COUNTS
        cm = jnp.where(pad & (cio == 4), -3.2e38, cm)
        cm = jnp.where(pad & (cio == 5), 3.0e7, cm)
        cmt = jnp.transpose(cm)
        ckey = cm[:, 4:5]
        cidx = cm[:, 5:6]
        kcr = cmt[4:5, :]
        icr = cmt[5:6, :]
        prec = (kcr > ckey) | ((kcr == ckey) & (icr < cidx))
        posf = jnp.sum(prec.astype(jnp.float32), axis=1, keepdims=True)
        pio = jax.lax.broadcasted_iota(jnp.int32, (1, 128), 1)
        for pc in range(8):
            oh2 = (posf == (pio + pc * 128).astype(jnp.float32)
                   ).astype(jnp.float32)
            blk = _dot(oh2, cm, dn=(((0,), (0,)), ((), ())))
            out_ref[pc * 128:(pc + 1) * 128, :] = blk


def _order(dcol, payload):
    nblk = _NPAD // 1024
    return pl.pallas_call(
        _order_body,
        grid=(nblk,),
        in_specs=[pl.BlockSpec((1024, 1), lambda i: (i, 0)),
                  pl.BlockSpec((1024, 8), lambda i: (i, 0))],
        out_specs=pl.BlockSpec((1024, 8), lambda i: (0, 0)),
        out_shape=jax.ShapeDtypeStruct((1024, 8), jnp.float32),
        scratch_shapes=[pltpu.VMEM((1024, 8), jnp.float32)],
    )(dcol, payload)


def kernel(feature_map, anchors):
    counts = _COUNTS
    B, C, H, W = feature_map.shape

    m = jnp.mean(feature_map, axis=(2, 3), keepdims=True)
    S = _sat(feature_map, m.reshape(256))
    an0 = anchors[0]
    an4 = jnp.pad(an0.T, ((0, 0), (0, _NPAD - _N)))
    heat_pad = _heat_sc(S[0].reshape(129 * 129), an4)

    dcol = _select(heat_pad.reshape(160, 128)).reshape(_NPAD, 1)
    payload = jnp.concatenate(
        [jnp.pad(an0, ((0, _NPAD - _N), (0, 0))),
         heat_pad[:, None],
         jnp.arange(_NPAD, dtype=jnp.float32)[:, None],
         jnp.zeros((_NPAD, 2), jnp.float32)], axis=1)
    out = _order(dcol, payload)
    return out[:counts, :4][None]

# --- scband reference (transcript-rebuilt; emitter-appended) ---
"""Pipeline reference for scband-hot-proposal-layer-32830730011550 (READ-ONLY COPY).

The authoritative reference and input builder live on the scoring server;
editing this copy changes nothing except your own understanding.
"""

import jax, jax.numpy as jnp
import numpy as np

COUNTS = 1000


def setup_inputs(seed: int = 0) -> dict:
    key = jax.random.key(seed)
    k1, k2, k3, k4, k5 = jax.random.split(key, 5)
    feature_map = jax.random.normal(k1, (1, 256, 128, 128), dtype=jnp.float32)
    B, N = 1, 20000
    # valid normalized boxes: y1<y2, x1<x2, all within [0,1]
    y1 = jax.random.uniform(k2, (B, N)) * 0.75
    x1 = jax.random.uniform(k3, (B, N)) * 0.75
    hh = 0.15 + jax.random.uniform(k4, (B, N)) * 0.10
    ww = 0.15 + jax.random.uniform(k5, (B, N)) * 0.10
    anchors = jnp.stack([y1, x1, y1 + hh, x1 + ww], axis=-1).astype(jnp.float32)
    return {"feature_map": feature_map, "anchors": anchors}


def _region_mean(hmap, anok):
    # hmap: [B, H, W] heat map; anok: [B, N, 4] int box coords (y1,x1,y2,x2)
    # sum(hmap[y1:y2, x1:x2]) / numel via summed-area table (same math as torch slicing+sum)
    B, H, W = hmap.shape
    S = jnp.pad(jnp.cumsum(jnp.cumsum(hmap, axis=1), axis=2), ((0, 0), (1, 0), (1, 0)))
    y1 = jnp.clip(anok[..., 0], 0, H)
    x1 = jnp.clip(anok[..., 1], 0, W)
    y2 = jnp.clip(anok[..., 2], 0, H)
    x2 = jnp.clip(anok[..., 3], 0, W)

    def per_b(Sb, y1b, x1b, y2b, x2b):
        return Sb[y2b, x2b] - Sb[y1b, x2b] - Sb[y2b, x1b] + Sb[y1b, x1b]

    s = jax.vmap(per_b)(S, y1, x1, y2, x2)
    numel = jnp.maximum(y2 - y1, 0) * jnp.maximum(x2 - x1, 0)
    return s / numel.astype(hmap.dtype)


def reference(feature_map, anchors):
    # simple_heat_filter path (levels==1)
    counts = COUNTS
    B, C, H, W = feature_map.shape
    m = jnp.mean(feature_map, axis=(2, 3), keepdims=True)
    hmap = jnp.sum(jnp.abs(feature_map - m), axis=1)  # [B, H, W]
    stride = jnp.array([H, W, H, W], dtype=jnp.float32)
    a = anchors * stride
    anok = jnp.round(a).astype(jnp.int32)
    heat = _region_mean(hmap, anok)  # [B, N]
    _, idx = jax.lax.top_k(heat, counts)
    gidx = jnp.broadcast_to(idx[:, :, None], (B, counts, 4))
    proposals = jnp.take_along_axis(a, gidx, axis=1) / stride
    return proposals

if __name__ == "__main__":
    import jax
    _d = setup_inputs()
    print(jax.jit(kernel)(*tuple(_d.values())))

</pallas_src>

<mosaic_0001>
#map = affine_map<(d0, d1) -> (0)>
#map1 = affine_map<(d0, d1) -> (0, 0)>
module attributes {stable_mosaic.version = 14 : i64} {
  func.func @_heat_sc_body(%arg0: i32, %arg1: i32, %arg2: memref<16641xf32, #tpu.memory_space<hbm>>, %arg3: memref<4x20480xf32, #tpu.memory_space<hbm>>, %arg4: memref<20480xf32, #tpu.memory_space<hbm>>, %arg5: memref<16641xf32, #tpu.memory_space<vmem>>, %arg6: memref<4x640xf32, #tpu.memory_space<vmem>>, %arg7: memref<640xf32, #tpu.memory_space<vmem>>) attributes {dimension_semantics = [#tpu.dimension_semantics<core_parallel>, #tpu.dimension_semantics<subcore_parallel>], iteration_bounds = array<i64: 2, 16>, scalar_prefetch = 0 : i64, scratch_operands = 3 : i64, tpu.core_type = #tpu.core_type<sc_vector_subcore>, window_params = [{transform_indices = #map}, {transform_indices = #map1}, {transform_indices = #map}]} {
    %mul3A = arith.constant 2 : i32
    %mul3A_0 = arith.muli %arg1, %mul3A : i32
    %add3A = arith.addi %mul3A_0, %arg0 : i32
    %mul3A_1 = arith.constant 640 : i32
    %mul3A_2 = arith.muli %add3A, %mul3A_1 : i32
    "tpu.region"() ({
      %run_scoped3A_16 = tpu.sem_alloc : memref<!tpu.dma_semaphore, #tpu.memory_space<semaphore_mem>>
      tpu.enqueue_dma source(%arg2 : memref<16641xf32, #tpu.memory_space<hbm>>) target(%arg5 : memref<16641xf32, #tpu.memory_space<vmem>>) target_semaphore(%run_scoped3A_16 : memref<!tpu.dma_semaphore, #tpu.memory_space<semaphore_mem>>)
      tpu.wait_dma2 semaphore(%run_scoped3A_16 : memref<!tpu.dma_semaphore, #tpu.memory_space<semaphore_mem>>) src(%arg2 : memref<16641xf32, #tpu.memory_space<hbm>>) dst(%arg5 : memref<16641xf32, #tpu.memory_space<vmem>>)
      tpu.yield
    }) : () -> ()
    %run_scoped3A = arith.constant 0 : i32
    %run_scoped3A_3 = arith.constant 0 : i32
    "tpu.region"() ({
      %run_scoped3A_16 = tpu.sem_alloc : memref<!tpu.dma_semaphore, #tpu.memory_space<semaphore_mem>>
      %dma_start3A = arith.constant 0 : i32
      %dma_start3A_17 = tpu.memref_slice %arg6[%run_scoped3A_3, %dma_start3A] : memref<4x640xf32, #tpu.memory_space<vmem>> -> memref<1x640xf32, #tpu.memory_space<vmem>>
      %dma_start3A_18 = tpu.memref_squeeze %dma_start3A_17 : memref<1x640xf32, #tpu.memory_space<vmem>> -> memref<640xf32, #tpu.memory_space<vmem>>
      %dma_start3A_19 = tpu.memref_slice %arg3[%run_scoped3A, %mul3A_2] : memref<4x20480xf32, #tpu.memory_space<hbm>> -> memref<1x640xf32, #tpu.memory_space<hbm>>
      %dma_start3A_20 = tpu.memref_squeeze %dma_start3A_19 : memref<1x640xf32, #tpu.memory_space<hbm>> -> memref<640xf32, #tpu.memory_space<hbm>>
      %dma_start3A_21 = arith.constant 0 : i32
      %dma_start3A_22 = tpu.memref_slice %arg6[%run_scoped3A_3, %dma_start3A_21] : memref<4x640xf32, #tpu.memory_space<vmem>> -> memref<1x640xf32, #tpu.memory_space<vmem>>
      %dma_start3A_23 = tpu.memref_squeeze %dma_start3A_22 : memref<1x640xf32, #tpu.memory_space<vmem>> -> memref<640xf32, #tpu.memory_space<vmem>>
      %dma_start3A_24 = tpu.memref_slice %arg3[%run_scoped3A, %mul3A_2] : memref<4x20480xf32, #tpu.memory_space<hbm>> -> memref<1x640xf32, #tpu.memory_space<hbm>>
      %dma_start3A_25 = tpu.memref_squeeze %dma_start3A_24 : memref<1x640xf32, #tpu.memory_space<hbm>> -> memref<640xf32, #tpu.memory_space<hbm>>
      tpu.enqueue_dma source(%dma_start3A_25 : memref<640xf32, #tpu.memory_space<hbm>>) target(%dma_start3A_23 : memref<640xf32, #tpu.memory_space<vmem>>) target_semaphore(%run_scoped3A_16 : memref<!tpu.dma_semaphore, #tpu.memory_space<semaphore_mem>>)
      %dma_wait3A = arith.constant 0 : i32
      %dma_wait3A_26 = tpu.memref_slice %arg6[%run_scoped3A_3, %dma_wait3A] : memref<4x640xf32, #tpu.memory_space<vmem>> -> memref<1x640xf32, #tpu.memory_space<vmem>>
      %dma_wait3A_27 = tpu.memref_squeeze %dma_wait3A_26 : memref<1x640xf32, #tpu.memory_space<vmem>> -> memref<640xf32, #tpu.memory_space<vmem>>
      %dma_wait3A_28 = tpu.memref_slice %arg3[%run_scoped3A, %mul3A_2] : memref<4x20480xf32, #tpu.memory_space<hbm>> -> memref<1x640xf32, #tpu.memory_space<hbm>>
      %dma_wait3A_29 = tpu.memref_squeeze %dma_wait3A_28 : memref<1x640xf32, #tpu.memory_space<hbm>> -> memref<640xf32, #tpu.memory_space<hbm>>
      %dma_wait3A_30 = arith.constant 0 : i32
      %dma_wait3A_31 = tpu.memref_slice %arg6[%run_scoped3A_3, %dma_wait3A_30] : memref<4x640xf32, #tpu.memory_space<vmem>> -> memref<1x640xf32, #tpu.memory_space<vmem>>
      %dma_wait3A_32 = tpu.memref_squeeze %dma_wait3A_31 : memref<1x640xf32, #tpu.memory_space<vmem>> -> memref<640xf32, #tpu.memory_space<vmem>>
      %dma_wait3A_33 = tpu.memref_slice %arg3[%run_scoped3A, %mul3A_2] : memref<4x20480xf32, #tpu.memory_space<hbm>> -> memref<1x640xf32, #tpu.memory_space<hbm>>
      %dma_wait3A_34 = tpu.memref_squeeze %dma_wait3A_33 : memref<1x640xf32, #tpu.memory_space<hbm>> -> memref<640xf32, #tpu.memory_space<hbm>>
      tpu.wait_dma2 semaphore(%run_scoped3A_16 : memref<!tpu.dma_semaphore, #tpu.memory_space<semaphore_mem>>) src(%dma_wait3A_34 : memref<640xf32, #tpu.memory_space<hbm>>) dst(%dma_wait3A_32 : memref<640xf32, #tpu.memory_space<vmem>>)
      tpu.yield
    }) : () -> ()
    %run_scoped3A_4 = arith.constant 1 : i32
    %run_scoped3A_5 = arith.constant 1 : i32
    "tpu.region"() ({
      %run_scoped3A_16 = tpu.sem_alloc : memref<!tpu.dma_semaphore, #tpu.memory_space<semaphore_mem>>
      %dma_start3A = arith.constant 0 : i32
      %dma_start3A_17 = tpu.memref_slice %arg6[%run_scoped3A_5, %dma_start3A] : memref<4x640xf32, #tpu.memory_space<vmem>> -> memref<1x640xf32, #tpu.memory_space<vmem>>
      %dma_start3A_18 = tpu.memref_squeeze %dma_start3A_17 : memref<1x640xf32, #tpu.memory_space<vmem>> -> memref<640xf32, #tpu.memory_space<vmem>>
      %dma_start3A_19 = tpu.memref_slice %arg3[%run_scoped3A_4, %mul3A_2] : memref<4x20480xf32, #tpu.memory_space<hbm>> -> memref<1x640xf32, #tpu.memory_space<hbm>>
      %dma_start3A_20 = tpu.memref_squeeze %dma_start3A_19 : memref<1x640xf32, #tpu.memory_space<hbm>> -> memref<640xf32, #tpu.memory_space<hbm>>
      %dma_start3A_21 = arith.constant 0 : i32
      %dma_start3A_22 = tpu.memref_slice %arg6[%run_scoped3A_5, %dma_start3A_21] : memref<4x640xf32, #tpu.memory_space<vmem>> -> memref<1x640xf32, #tpu.memory_space<vmem>>
      %dma_start3A_23 = tpu.memref_squeeze %dma_start3A_22 : memref<1x640xf32, #tpu.memory_space<vmem>> -> memref<640xf32, #tpu.memory_space<vmem>>
      %dma_start3A_24 = tpu.memref_slice %arg3[%run_scoped3A_4, %mul3A_2] : memref<4x20480xf32, #tpu.memory_space<hbm>> -> memref<1x640xf32, #tpu.memory_space<hbm>>
      %dma_start3A_25 = tpu.memref_squeeze %dma_start3A_24 : memref<1x640xf32, #tpu.memory_space<hbm>> -> memref<640xf32, #tpu.memory_space<hbm>>
      tpu.enqueue_dma source(%dma_start3A_25 : memref<640xf32, #tpu.memory_space<hbm>>) target(%dma_start3A_23 : memref<640xf32, #tpu.memory_space<vmem>>) target_semaphore(%run_scoped3A_16 : memref<!tpu.dma_semaphore, #tpu.memory_space<semaphore_mem>>)
      %dma_wait3A = arith.constant 0 : i32
      %dma_wait3A_26 = tpu.memref_slice %arg6[%run_scoped3A_5, %dma_wait3A] : memref<4x640xf32, #tpu.memory_space<vmem>> -> memref<1x640xf32, #tpu.memory_space<vmem>>
      %dma_wait3A_27 = tpu.memref_squeeze %dma_wait3A_26 : memref<1x640xf32, #tpu.memory_space<vmem>> -> memref<640xf32, #tpu.memory_space<vmem>>
      %dma_wait3A_28 = tpu.memref_slice %arg3[%run_scoped3A_4, %mul3A_2] : memref<4x20480xf32, #tpu.memory_space<hbm>> -> memref<1x640xf32, #tpu.memory_space<hbm>>
      %dma_wait3A_29 = tpu.memref_squeeze %dma_wait3A_28 : memref<1x640xf32, #tpu.memory_space<hbm>> -> memref<640xf32, #tpu.memory_space<hbm>>
      %dma_wait3A_30 = arith.constant 0 : i32
      %dma_wait3A_31 = tpu.memref_slice %arg6[%run_scoped3A_5, %dma_wait3A_30] : memref<4x640xf32, #tpu.memory_space<vmem>> -> memref<1x640xf32, #tpu.memory_space<vmem>>
      %dma_wait3A_32 = tpu.memref_squeeze %dma_wait3A_31 : memref<1x640xf32, #tpu.memory_space<vmem>> -> memref<640xf32, #tpu.memory_space<vmem>>
      %dma_wait3A_33 = tpu.memref_slice %arg3[%run_scoped3A_4, %mul3A_2] : memref<4x20480xf32, #tpu.memory_space<hbm>> -> memref<1x640xf32, #tpu.memory_space<hbm>>
      %dma_wait3A_34 = tpu.memref_squeeze %dma_wait3A_33 : memref<1x640xf32, #tpu.memory_space<hbm>> -> memref<640xf32, #tpu.memory_space<hbm>>
      tpu.wait_dma2 semaphore(%run_scoped3A_16 : memref<!tpu.dma_semaphore, #tpu.memory_space<semaphore_mem>>) src(%dma_wait3A_34 : memref<640xf32, #tpu.memory_space<hbm>>) dst(%dma_wait3A_32 : memref<640xf32, #tpu.memory_space<vmem>>)
      tpu.yield
    }) : () -> ()
    %run_scoped3A_6 = arith.constant 2 : i32
    %run_scoped3A_7 = arith.constant 2 : i32
    "tpu.region"() ({
      %run_scoped3A_16 = tpu.sem_alloc : memref<!tpu.dma_semaphore, #tpu.memory_space<semaphore_mem>>
      %dma_start3A = arith.constant 0 : i32
      %dma_start3A_17 = tpu.memref_slice %arg6[%run_scoped3A_7, %dma_start3A] : memref<4x640xf32, #tpu.memory_space<vmem>> -> memref<1x640xf32, #tpu.memory_space<vmem>>
      %dma_start3A_18 = tpu.memref_squeeze %dma_start3A_17 : memref<1x640xf32, #tpu.memory_space<vmem>> -> memref<640xf32, #tpu.memory_space<vmem>>
      %dma_start3A_19 = tpu.memref_slice %arg3[%run_scoped3A_6, %mul3A_2] : memref<4x20480xf32, #tpu.memory_space<hbm>> -> memref<1x640xf32, #tpu.memory_space<hbm>>
      %dma_start3A_20 = tpu.memref_squeeze %dma_start3A_19 : memref<1x640xf32, #tpu.memory_space<hbm>> -> memref<640xf32, #tpu.memory_space<hbm>>
      %dma_start3A_21 = arith.constant 0 : i32
      %dma_start3A_22 = tpu.memref_slice %arg6[%run_scoped3A_7, %dma_start3A_21] : memref<4x640xf32, #tpu.memory_space<vmem>> -> memref<1x640xf32, #tpu.memory_space<vmem>>
      %dma_start3A_23 = tpu.memref_squeeze %dma_start3A_22 : memref<1x640xf32, #tpu.memory_space<vmem>> -> memref<640xf32, #tpu.memory_space<vmem>>
      %dma_start3A_24 = tpu.memref_slice %arg3[%run_scoped3A_6, %mul3A_2] : memref<4x20480xf32, #tpu.memory_space<hbm>> -> memref<1x640xf32, #tpu.memory_space<hbm>>
      %dma_start3A_25 = tpu.memref_squeeze %dma_start3A_24 : memref<1x640xf32, #tpu.memory_space<hbm>> -> memref<640xf32, #tpu.memory_space<hbm>>
      tpu.enqueue_dma source(%dma_start3A_25 : memref<640xf32, #tpu.memory_space<hbm>>) target(%dma_start3A_23 : memref<640xf32, #tpu.memory_space<vmem>>) target_semaphore(%run_scoped3A_16 : memref<!tpu.dma_semaphore, #tpu.memory_space<semaphore_mem>>)
      %dma_wait3A = arith.constant 0 : i32
      %dma_wait3A_26 = tpu.memref_slice %arg6[%run_scoped3A_7, %dma_wait3A] : memref<4x640xf32, #tpu.memory_space<vmem>> -> memref<1x640xf32, #tpu.memory_space<vmem>>
      %dma_wait3A_27 = tpu.memref_squeeze %dma_wait3A_26 : memref<1x640xf32, #tpu.memory_space<vmem>> -> memref<640xf32, #tpu.memory_space<vmem>>
      %dma_wait3A_28 = tpu.memref_slice %arg3[%run_scoped3A_6, %mul3A_2] : memref<4x20480xf32, #tpu.memory_space<hbm>> -> memref<1x640xf32, #tpu.memory_space<hbm>>
      %dma_wait3A_29 = tpu.memref_squeeze %dma_wait3A_28 : memref<1x640xf32, #tpu.memory_space<hbm>> -> memref<640xf32, #tpu.memory_space<hbm>>
      %dma_wait3A_30 = arith.constant 0 : i32
      %dma_wait3A_31 = tpu.memref_slice %arg6[%run_scoped3A_7, %dma_wait3A_30] : memref<4x640xf32, #tpu.memory_space<vmem>> -> memref<1x640xf32, #tpu.memory_space<vmem>>
      %dma_wait3A_32 = tpu.memref_squeeze %dma_wait3A_31 : memref<1x640xf32, #tpu.memory_space<vmem>> -> memref<640xf32, #tpu.memory_space<vmem>>
      %dma_wait3A_33 = tpu.memref_slice %arg3[%run_scoped3A_6, %mul3A_2] : memref<4x20480xf32, #tpu.memory_space<hbm>> -> memref<1x640xf32, #tpu.memory_space<hbm>>
      %dma_wait3A_34 = tpu.memref_squeeze %dma_wait3A_33 : memref<1x640xf32, #tpu.memory_space<hbm>> -> memref<640xf32, #tpu.memory_space<hbm>>
      tpu.wait_dma2 semaphore(%run_scoped3A_16 : memref<!tpu.dma_semaphore, #tpu.memory_space<semaphore_mem>>) src(%dma_wait3A_34 : memref<640xf32, #tpu.memory_space<hbm>>) dst(%dma_wait3A_32 : memref<640xf32, #tpu.memory_space<vmem>>)
      tpu.yield
    }) : () -> ()
    %run_scoped3A_8 = arith.constant 3 : i32
    %run_scoped3A_9 = arith.constant 3 : i32
    "tpu.region"() ({
      %run_scoped3A_16 = tpu.sem_alloc : memref<!tpu.dma_semaphore, #tpu.memory_space<semaphore_mem>>
      %dma_start3A = arith.constant 0 : i32
      %dma_start3A_17 = tpu.memref_slice %arg6[%run_scoped3A_9, %dma_start3A] : memref<4x640xf32, #tpu.memory_space<vmem>> -> memref<1x640xf32, #tpu.memory_space<vmem>>
      %dma_start3A_18 = tpu.memref_squeeze %dma_start3A_17 : memref<1x640xf32, #tpu.memory_space<vmem>> -> memref<640xf32, #tpu.memory_space<vmem>>
      %dma_start3A_19 = tpu.memref_slice %arg3[%run_scoped3A_8, %mul3A_2] : memref<4x20480xf32, #tpu.memory_space<hbm>> -> memref<1x640xf32, #tpu.memory_space<hbm>>
      %dma_start3A_20 = tpu.memref_squeeze %dma_start3A_19 : memref<1x640xf32, #tpu.memory_space<hbm>> -> memref<640xf32, #tpu.memory_space<hbm>>
      %dma_start3A_21 = arith.constant 0 : i32
      %dma_start3A_22 = tpu.memref_slice %arg6[%run_scoped3A_9, %dma_start3A_21] : memref<4x640xf32, #tpu.memory_space<vmem>> -> memref<1x640xf32, #tpu.memory_space<vmem>>
      %dma_start3A_23 = tpu.memref_squeeze %dma_start3A_22 : memref<1x640xf32, #tpu.memory_space<vmem>> -> memref<640xf32, #tpu.memory_space<vmem>>
      %dma_start3A_24 = tpu.memref_slice %arg3[%run_scoped3A_8, %mul3A_2] : memref<4x20480xf32, #tpu.memory_space<hbm>> -> memref<1x640xf32, #tpu.memory_space<hbm>>
      %dma_start3A_25 = tpu.memref_squeeze %dma_start3A_24 : memref<1x640xf32, #tpu.memory_space<hbm>> -> memref<640xf32, #tpu.memory_space<hbm>>
      tpu.enqueue_dma source(%dma_start3A_25 : memref<640xf32, #tpu.memory_space<hbm>>) target(%dma_start3A_23 : memref<640xf32, #tpu.memory_space<vmem>>) target_semaphore(%run_scoped3A_16 : memref<!tpu.dma_semaphore, #tpu.memory_space<semaphore_mem>>)
      %dma_wait3A = arith.constant 0 : i32
      %dma_wait3A_26 = tpu.memref_slice %arg6[%run_scoped3A_9, %dma_wait3A] : memref<4x640xf32, #tpu.memory_space<vmem>> -> memref<1x640xf32, #tpu.memory_space<vmem>>
      %dma_wait3A_27 = tpu.memref_squeeze %dma_wait3A_26 : memref<1x640xf32, #tpu.memory_space<vmem>> -> memref<640xf32, #tpu.memory_space<vmem>>
      %dma_wait3A_28 = tpu.memref_slice %arg3[%run_scoped3A_8, %mul3A_2] : memref<4x20480xf32, #tpu.memory_space<hbm>> -> memref<1x640xf32, #tpu.memory_space<hbm>>
      %dma_wait3A_29 = tpu.memref_squeeze %dma_wait3A_28 : memref<1x640xf32, #tpu.memory_space<hbm>> -> memref<640xf32, #tpu.memory_space<hbm>>
      %dma_wait3A_30 = arith.constant 0 : i32
      %dma_wait3A_31 = tpu.memref_slice %arg6[%run_scoped3A_9, %dma_wait3A_30] : memref<4x640xf32, #tpu.memory_space<vmem>> -> memref<1x640xf32, #tpu.memory_space<vmem>>
      %dma_wait3A_32 = tpu.memref_squeeze %dma_wait3A_31 : memref<1x640xf32, #tpu.memory_space<vmem>> -> memref<640xf32, #tpu.memory_space<vmem>>
      %dma_wait3A_33 = tpu.memref_slice %arg3[%run_scoped3A_8, %mul3A_2] : memref<4x20480xf32, #tpu.memory_space<hbm>> -> memref<1x640xf32, #tpu.memory_space<hbm>>
      %dma_wait3A_34 = tpu.memref_squeeze %dma_wait3A_33 : memref<1x640xf32, #tpu.memory_space<hbm>> -> memref<640xf32, #tpu.memory_space<hbm>>
      tpu.wait_dma2 semaphore(%run_scoped3A_16 : memref<!tpu.dma_semaphore, #tpu.memory_space<semaphore_mem>>) src(%dma_wait3A_34 : memref<640xf32, #tpu.memory_space<hbm>>) dst(%dma_wait3A_32 : memref<640xf32, #tpu.memory_space<vmem>>)
      tpu.yield
    }) : () -> ()
    %scan3A = arith.constant 0 : i32
    %scan3A_10 = arith.constant 0 : i32
    %scan3A_11 = arith.constant 40 : i32
    %scan3A_12 = arith.addi %scan3A_10, %scan3A_11 : i32
    %scan3A_13 = arith.constant 1 : i32
    %scan3A_14 = scf.for %scan3A_16 = %scan3A_10 to %scan3A_12 step %scan3A_13 iter_args(%scan3A_17 = %scan3A) -> (i32)  : i32 {
      %mul3A_18 = arith.constant 16 : i32
      %mul3A_19 = arith.muli %scan3A_16, %mul3A_18 : i32
      %get3A = arith.constant 0 : i32
      %get3A_20 = arith.index_cast %get3A : i32 to index
      %get3A_21 = arith.index_cast %mul3A_19 : i32 to index
      %get3A_22 = tpu.vector_load %arg6[%get3A_20, %get3A_21] {strides = array<i32>} : memref<4x640xf32, #tpu.memory_space<vmem>>, vector<16xf32>,
      %mul3A_23 = arith.constant 1.280000e+02 : f32
      %mul3A_24 = vector.broadcast %mul3A_23 : f32 to vector<16xf32>
      %mul3A_25 = arith.mulf %get3A_22, %mul3A_24 : vector<16xf32>
      %add3A_26 = arith.constant 0x4B400000 : f32
      %add3A_27 = vector.broadcast %add3A_26 : f32 to vector<16xf32>
      %add3A_28 = arith.addf %mul3A_25, %add3A_27 : vector<16xf32>
      %sub3A = arith.constant 0x4B400000 : f32
      %sub3A_29 = vector.broadcast %sub3A : f32 to vector<16xf32>
      %sub3A_30 = arith.subf %add3A_28, %sub3A_29 : vector<16xf32>
      %convert_element_type3A = arith.fptosi %sub3A_30 : vector<16xf32> to vector<16xi32>
      %jit3A = arith.constant 0 : i32
      %jit3A_31 = arith.constant 128 : i32
      %max3A = vector.broadcast %jit3A : i32 to vector<16xi32>
      %max3A_32 = arith.maxsi %max3A, %convert_element_type3A : vector<16xi32>
      %min3A = vector.broadcast %jit3A_31 : i32 to vector<16xi32>
      %min3A_33 = arith.minsi %min3A, %max3A_32 : vector<16xi32>
      %get3A_34 = arith.constant 1 : i32
      %get3A_35 = arith.index_cast %get3A_34 : i32 to index
      %get3A_36 = arith.index_cast %mul3A_19 : i32 to index
      %get3A_37 = tpu.vector_load %arg6[%get3A_35, %get3A_36] {strides = array<i32>} : memref<4x640xf32, #tpu.memory_space<vmem>>, vector<16xf32>,
      %mul3A_38 = arith.constant 1.280000e+02 : f32
      %mul3A_39 = vector.broadcast %mul3A_38 : f32 to vector<16xf32>
      %mul3A_40 = arith.mulf %get3A_37, %mul3A_39 : vector<16xf32>
      %add3A_41 = arith.constant 0x4B400000 : f32
      %add3A_42 = vector.broadcast %add3A_41 : f32 to vector<16xf32>
      %add3A_43 = arith.addf %mul3A_40, %add3A_42 : vector<16xf32>
      %sub3A_44 = arith.constant 0x4B400000 : f32
      %sub3A_45 = vector.broadcast %sub3A_44 : f32 to vector<16xf32>
      %sub3A_46 = arith.subf %add3A_43, %sub3A_45 : vector<16xf32>
      %convert_element_type3A_47 = arith.fptosi %sub3A_46 : vector<16xf32> to vector<16xi32>
      %jit3A_48 = arith.constant 0 : i32
      %jit3A_49 = arith.constant 128 : i32
      %max3A_50 = vector.broadcast %jit3A_48 : i32 to vector<16xi32>
      %max3A_51 = arith.maxsi %max3A_50, %convert_element_type3A_47 : vector<16xi32>
      %min3A_52 = vector.broadcast %jit3A_49 : i32 to vector<16xi32>
      %min3A_53 = arith.minsi %min3A_52, %max3A_51 : vector<16xi32>
      %get3A_54 = arith.constant 2 : i32
      %get3A_55 = arith.index_cast %get3A_54 : i32 to index
      %get3A_56 = arith.index_cast %mul3A_19 : i32 to index
      %get3A_57 = tpu.vector_load %arg6[%get3A_55, %get3A_56] {strides = array<i32>} : memref<4x640xf32, #tpu.memory_space<vmem>>, vector<16xf32>,
      %mul3A_58 = arith.constant 1.280000e+02 : f32
      %mul3A_59 = vector.broadcast %mul3A_58 : f32 to vector<16xf32>
      %mul3A_60 = arith.mulf %get3A_57, %mul3A_59 : vector<16xf32>
      %add3A_61 = arith.constant 0x4B400000 : f32
      %add3A_62 = vector.broadcast %add3A_61 : f32 to vector<16xf32>
      %add3A_63 = arith.addf %mul3A_60, %add3A_62 : vector<16xf32>
      %sub3A_64 = arith.constant 0x4B400000 : f32
      %sub3A_65 = vector.broadcast %sub3A_64 : f32 to vector<16xf32>
      %sub3A_66 = arith.subf %add3A_63, %sub3A_65 : vector<16xf32>
      %convert_element_type3A_67 = arith.fptosi %sub3A_66 : vector<16xf32> to vector<16xi32>
      %jit3A_68 = arith.constant 0 : i32
      %jit3A_69 = arith.constant 128 : i32
      %max3A_70 = vector.broadcast %jit3A_68 : i32 to vector<16xi32>
      %max3A_71 = arith.maxsi %max3A_70, %convert_element_type3A_67 : vector<16xi32>
      %min3A_72 = vector.broadcast %jit3A_69 : i32 to vector<16xi32>
      %min3A_73 = arith.minsi %min3A_72, %max3A_71 : vector<16xi32>
      %get3A_74 = arith.constant 3 : i32
      %get3A_75 = arith.index_cast %get3A_74 : i32 to index
      %get3A_76 = arith.index_cast %mul3A_19 : i32 to index
      %get3A_77 = tpu.vector_load %arg6[%get3A_75, %get3A_76] {strides = array<i32>} : memref<4x640xf32, #tpu.memory_space<vmem>>, vector<16xf32>,
      %mul3A_78 = arith.constant 1.280000e+02 : f32
      %mul3A_79 = vector.broadcast %mul3A_78 : f32 to vector<16xf32>
      %mul3A_80 = arith.mulf %get3A_77, %mul3A_79 : vector<16xf32>
      %add3A_81 = arith.constant 0x4B400000 : f32
      %add3A_82 = vector.broadcast %add3A_81 : f32 to vector<16xf32>
      %add3A_83 = arith.addf %mul3A_80, %add3A_82 : vector<16xf32>
      %sub3A_84 = arith.constant 0x4B400000 : f32
      %sub3A_85 = vector.broadcast %sub3A_84 : f32 to vector<16xf32>
      %sub3A_86 = arith.subf %add3A_83, %sub3A_85 : vector<16xf32>
      %convert_element_type3A_87 = arith.fptosi %sub3A_86 : vector<16xf32> to vector<16xi32>
      %jit3A_88 = arith.constant 0 : i32
      %jit3A_89 = arith.constant 128 : i32
      %max3A_90 = vector.broadcast %jit3A_88 : i32 to vector<16xi32>
      %max3A_91 = arith.maxsi %max3A_90, %convert_element_type3A_87 : vector<16xi32>
      %min3A_92 = vector.broadcast %jit3A_89 : i32 to vector<16xi32>
      %min3A_93 = arith.minsi %min3A_92, %max3A_91 : vector<16xi32>
      %mul3A_94 = arith.constant 129 : i32
      %mul3A_95 = vector.broadcast %mul3A_94 : i32 to vector<16xi32>
      %mul3A_96 = arith.muli %min3A_33, %mul3A_95 : vector<16xi32>
      %mul3A_97 = arith.constant 129 : i32
      %mul3A_98 = vector.broadcast %mul3A_97 : i32 to vector<16xi32>
      %mul3A_99 = arith.muli %min3A_73, %mul3A_98 : vector<16xi32>
      %add3A_100 = arith.addi %mul3A_99, %min3A_93 : vector<16xi32>
      %gather3A = tpu.vector_load_idx %arg5[%add3A_100] : memref<16641xf32, #tpu.memory_space<vmem>>[vector<16xi32>], vector<16xf32>,
      %add3A_101 = arith.addi %mul3A_96, %min3A_93 : vector<16xi32>
      %gather3A_102 = tpu.vector_load_idx %arg5[%add3A_101] : memref<16641xf32, #tpu.memory_space<vmem>>[vector<16xi32>], vector<16xf32>,
      %add3A_103 = arith.addi %mul3A_99, %min3A_53 : vector<16xi32>
      %gather3A_104 = tpu.vector_load_idx %arg5[%add3A_103] : memref<16641xf32, #tpu.memory_space<vmem>>[vector<16xi32>], vector<16xf32>,
      %add3A_105 = arith.addi %mul3A_96, %min3A_53 : vector<16xi32>
      %gather3A_106 = tpu.vector_load_idx %arg5[%add3A_105] : memref<16641xf32, #tpu.memory_space<vmem>>[vector<16xi32>], vector<16xf32>,
      %sub3A_107 = arith.subf %gather3A, %gather3A_102 : vector<16xf32>
      %sub3A_108 = arith.subf %sub3A_107, %gather3A_104 : vector<16xf32>
      %add3A_109 = arith.addf %sub3A_108, %gather3A_106 : vector<16xf32>
      %sub3A_110 = arith.subi %min3A_73, %min3A_33 : vector<16xi32>
      %max3A_111 = arith.constant 0 : i32
      %max3A_112 = vector.broadcast %max3A_111 : i32 to vector<16xi32>
      %max3A_113 = arith.maxsi %sub3A_110, %max3A_112 : vector<16xi32>
      %sub3A_114 = arith.subi %min3A_93, %min3A_53 : vector<16xi32>
      %max3A_115 = arith.constant 0 : i32
      %max3A_116 = vector.broadcast %max3A_115 : i32 to vector<16xi32>
      %max3A_117 = arith.maxsi %sub3A_114, %max3A_116 : vector<16xi32>
      %mul3A_118 = arith.muli %max3A_113, %max3A_117 : vector<16xi32>
      %convert_element_type3A_119 = arith.sitofp %mul3A_118 : vector<16xi32> to vector<16xf32>
      %div3A = arith.divf %add3A_109, %convert_element_type3A_119 : vector<16xf32>
      %add3A_120 = arith.addi %mul3A_2, %mul3A_19 : i32
      %iota3A = tpu.iota {dimensions = array<i32: 0>} : vector<16xi32>
      %add3A_121 = vector.broadcast %add3A_120 : i32 to vector<16xi32>
      %add3A_122 = arith.addi %add3A_121, %iota3A : vector<16xi32>
      %lt3A = arith.constant 20000 : i32
      %lt3A_123 = vector.broadcast %lt3A : i32 to vector<16xi32>
      %lt3A_124 = arith.cmpi slt, %add3A_122, %lt3A_123 : vector<16xi32>
      %jit3A_125 = arith.constant -3.000000e+38 : f32
      %broadcast_in_dim3A = vector.broadcast %jit3A_125 : f32 to vector<16xf32>
      %select_n3A = arith.select %lt3A_124, %div3A, %broadcast_in_dim3A : vector<16xi1>, vector<16xf32>
      %swap3A = arith.index_cast %mul3A_19 : i32 to index
      %swap3A_126 = tpu.vector_load %arg7[%swap3A] {strides = array<i32>} : memref<640xf32, #tpu.memory_space<vmem>>, vector<16xf32>,
      tpu.vector_store %arg7[%swap3A], %select_n3A {strides = array<i32>} : memref<640xf32, #tpu.memory_space<vmem>>, vector<16xf32>,
      %scan3A_127 = arith.constant 0 : i32
      scf.yield %scan3A_127 : i32
    }
    %scan3A_15 = arith.constant 40 : i32
    "tpu.region"() ({
      %run_scoped3A_16 = tpu.sem_alloc : memref<!tpu.dma_semaphore, #tpu.memory_space<semaphore_mem>>
      %dma_start3A = tpu.memref_slice %arg4[%mul3A_2] : memref<20480xf32, #tpu.memory_space<hbm>> -> memref<640xf32, #tpu.memory_space<hbm>>
      %dma_start3A_17 = tpu.memref_slice %arg4[%mul3A_2] : memref<20480xf32, #tpu.memory_space<hbm>> -> memref<640xf32, #tpu.memory_space<hbm>>
      tpu.enqueue_dma source(%arg7 : memref<640xf32, #tpu.memory_space<vmem>>) target(%dma_start3A_17 : memref<640xf32, #tpu.memory_space<hbm>>) target_semaphore(%run_scoped3A_16 : memref<!tpu.dma_semaphore, #tpu.memory_space<semaphore_mem>>)
      %dma_wait3A = tpu.memref_slice %arg4[%mul3A_2] : memref<20480xf32, #tpu.memory_space<hbm>> -> memref<640xf32, #tpu.memory_space<hbm>>
      %dma_wait3A_18 = tpu.memref_slice %arg4[%mul3A_2] : memref<20480xf32, #tpu.memory_space<hbm>> -> memref<640xf32, #tpu.memory_space<hbm>>
      tpu.wait_dma2 semaphore(%run_scoped3A_16 : memref<!tpu.dma_semaphore, #tpu.memory_space<semaphore_mem>>) src(%arg7 : memref<640xf32, #tpu.memory_space<vmem>>) dst(%dma_wait3A_18 : memref<640xf32, #tpu.memory_space<hbm>>)
      tpu.yield
    }) : () -> ()
    return
  }
}

module attributes {stable_mosaic.version = 14 : i64} {
  func.func @_sat_body(%arg0: i32, %arg1: memref<32x128x128xf32, #tpu.memory_space<vmem>>, %arg2: memref<32x1xf32, #tpu.memory_space<vmem>>, %arg3: memref<129x129xf32, #tpu.memory_space<vmem>>, %arg4: memref<128x128xf32, #tpu.memory_space<vmem>>, %arg5: memref<128x128xf32, #tpu.memory_space<vmem>>) attributes {dimension_semantics = [#tpu.dimension_semantics<arbitrary>], iteration_bounds = array<i64: 8>, scalar_prefetch = 0 : i64, scratch_operands = 2 : i64, tpu.core_type = #tpu.core_type<tc>, window_params = [{transform_indices = @transform_0, window_bounds = array<i64: 32, 128, 128>}, {transform_indices = @transform_1, window_bounds = array<i64: 32, 1>}, {pipeline_mode = #tpu.pipeline_mode<synchronous>, transform_indices = @transform_2, window_bounds = array<i64: 129, 129>}]} {
    %eq3A = arith.constant 0 : i32
    %eq3A_0 = arith.cmpi eq, %arg0, %eq3A : i32
    %convert_element_type3A = arith.extui %eq3A_0 : i1 to i32
    %cond3A = arith.constant 0 : i32
    %cond3A_1 = arith.cmpi ne, %convert_element_type3A, %cond3A : i32
    scf.if %cond3A_1 {
      %broadcast_in_dim3A = arith.constant 0.000000e+00 : f32
      %broadcast_in_dim3A_16 = vector.broadcast %broadcast_in_dim3A : f32 to vector<128x128xf32>
      %swap3A_17 = arith.constant 0 : index
      %swap3A_18 = arith.constant 0 : index
      %swap3A_19 = vector.load %arg4[%swap3A_17, %swap3A_18] : memref<128x128xf32, #tpu.memory_space<vmem>>, vector<128x128xf32>
      tpu.vector_store %arg4[%swap3A_17, %swap3A_18], %broadcast_in_dim3A_16 {strides = array<i32>} : memref<128x128xf32, #tpu.memory_space<vmem>>, vector<128x128xf32>,
    } else {
    }
    %get3A = arith.constant 0 : index
    %get3A_2 = arith.constant 0 : index
    %get3A_3 = vector.load %arg4[%get3A, %get3A_2] : memref<128x128xf32, #tpu.memory_space<vmem>>, vector<128x128xf32>
    %scan3A = arith.constant 0 : i32
    %scan3A_4 = arith.constant 32 : i32
    %scan3A_5 = arith.addi %scan3A, %scan3A_4 : i32
    %scan3A_6 = arith.constant 1 : i32
    %scan3A_7 = scf.for %scan3A_16 = %scan3A to %scan3A_5 step %scan3A_6 iter_args(%scan3A_17 = %get3A_3) -> (vector<128x128xf32>)  : i32 {
      %get3A_18 = arith.index_cast %scan3A_16 : i32 to index
      %get3A_19 = arith.constant 0 : index
      %get3A_20 = arith.constant 0 : index
      %get3A_21 = vector.load %arg1[%get3A_18, %get3A_19, %get3A_20] : memref<32x128x128xf32, #tpu.memory_space<vmem>>, vector<1x128x128xf32>
      %get3A_22 = vector.shape_cast %get3A_21 : vector<1x128x128xf32> to vector<128x128xf32>
      %get3A_23 = arith.index_cast %scan3A_16 : i32 to index
      %get3A_24 = arith.constant 0 : index
      %get3A_25 = vector.load %arg2[%get3A_23, %get3A_24] : memref<32x1xf32, #tpu.memory_space<vmem>>, vector<1x1xf32>
      %sub3A = vector.broadcast %get3A_25 : vector<1x1xf32> to vector<128x128xf32>
      %sub3A_26 = arith.subf %get3A_22, %sub3A : vector<128x128xf32>
      %abs3A = math.absf %sub3A_26 : vector<128x128xf32>
      %add3A = arith.addf %scan3A_17, %abs3A : vector<128x128xf32>
      scf.yield %add3A : vector<128x128xf32>
    }
    %scan3A_8 = arith.constant 32 : i32
    %swap3A = arith.constant 0 : index
    %swap3A_9 = arith.constant 0 : index
    %swap3A_10 = vector.load %arg4[%swap3A, %swap3A_9] : memref<128x128xf32, #tpu.memory_space<vmem>>, vector<128x128xf32>
    tpu.vector_store %arg4[%swap3A, %swap3A_9], %scan3A_7 {strides = array<i32>} : memref<128x128xf32, #tpu.memory_space<vmem>>, vector<128x128xf32>,
    %eq3A_11 = arith.constant 7 : i32
    %eq3A_12 = arith.cmpi eq, %arg0, %eq3A_11 : i32
    %convert_element_type3A_13 = arith.extui %eq3A_12 : i1 to i32
    %cond3A_14 = arith.constant 0 : i32
    %cond3A_15 = arith.cmpi ne, %convert_element_type3A_13, %cond3A_14 : i32
    scf.if %cond3A_15 {
      %broadcast_in_dim3A = arith.constant 0.000000e+00 : f32
      %broadcast_in_dim3A_16 = vector.broadcast %broadcast_in_dim3A : f32 to vector<1x128xf32>
      %scan3A_17 = arith.constant 0 : i32
      %scan3A_18 = arith.constant 128 : i32
      %scan3A_19 = arith.addi %scan3A_17, %scan3A_18 : i32
      %scan3A_20 = arith.constant 8 : i32
      %scan3A_21 = scf.for %scan3A_49 = %scan3A_17 to %scan3A_19 step %scan3A_20 iter_args(%scan3A_50 = %broadcast_in_dim3A_16) -> (vector<1x128xf32>)  : i32 {
        %get3A_51 = arith.index_cast %scan3A_49 : i32 to index
        %get3A_52 = arith.constant 0 : index
        %get3A_53 = vector.load %arg4[%get3A_51, %get3A_52] : memref<128x128xf32, #tpu.memory_space<vmem>>, vector<1x128xf32>
        %add3A = arith.addf %scan3A_50, %get3A_53 : vector<1x128xf32>
        %swap3A_54 = arith.index_cast %scan3A_49 : i32 to index
        %swap3A_55 = arith.constant 0 : index
        %swap3A_56 = vector.load %arg5[%swap3A_54, %swap3A_55] : memref<128x128xf32, #tpu.memory_space<vmem>>, vector<1x128xf32>
        tpu.vector_store %arg5[%swap3A_54, %swap3A_55], %add3A {strides = array<i32>} : memref<128x128xf32, #tpu.memory_space<vmem>>, vector<1x128xf32>,
        %scan3A_57 = arith.constant 1 : i32
        %scan3A_58 = arith.addi %scan3A_49, %scan3A_57 : i32
        %get3A_59 = arith.index_cast %scan3A_58 : i32 to index
        %get3A_60 = arith.constant 0 : index
        %get3A_61 = vector.load %arg4[%get3A_59, %get3A_60] : memref<128x128xf32, #tpu.memory_space<vmem>>, vector<1x128xf32>
        %add3A_62 = arith.addf %add3A, %get3A_61 : vector<1x128xf32>
        %swap3A_63 = arith.index_cast %scan3A_58 : i32 to index
        %swap3A_64 = arith.constant 0 : index
        %swap3A_65 = vector.load %arg5[%swap3A_63, %swap3A_64] : memref<128x128xf32, #tpu.memory_space<vmem>>, vector<1x128xf32>
        tpu.vector_store %arg5[%swap3A_63, %swap3A_64], %add3A_62 {strides = array<i32>} : memref<128x128xf32, #tpu.memory_space<vmem>>, vector<1x128xf32>,
        %scan3A_66 = arith.constant 2 : i32
        %scan3A_67 = arith.addi %scan3A_49, %scan3A_66 : i32
        %get3A_68 = arith.index_cast %scan3A_67 : i32 to index
        %get3A_69 = arith.constant 0 : index
        %get3A_70 = vector.load %arg4[%get3A_68, %get3A_69] : memref<128x128xf32, #tpu.memory_space<vmem>>, vector<1x128xf32>
        %add3A_71 = arith.addf %add3A_62, %get3A_70 : vector<1x128xf32>
        %swap3A_72 = arith.index_cast %scan3A_67 : i32 to index
        %swap3A_73 = arith.constant 0 : index
        %swap3A_74 = vector.load %arg5[%swap3A_72, %swap3A_73] : memref<128x128xf32, #tpu.memory_space<vmem>>, vector<1x128xf32>
        tpu.vector_store %arg5[%swap3A_72, %swap3A_73], %add3A_71 {strides = array<i32>} : memref<128x128xf32, #tpu.memory_space<vmem>>, vector<1x128xf32>,
        %scan3A_75 = arith.constant 3 : i32
        %scan3A_76 = arith.addi %scan3A_49, %scan3A_75 : i32
        %get3A_77 = arith.index_cast %scan3A_76 : i32 to index
        %get3A_78 = arith.constant 0 : index
        %get3A_79 = vector.load %arg4[%get3A_77, %get3A_78] : memref<128x128xf32, #tpu.memory_space<vmem>>, vector<1x128xf32>
        %add3A_80 = arith.addf %add3A_71, %get3A_79 : vector<1x128xf32>
        %swap3A_81 = arith.index_cast %scan3A_76 : i32 to index
        %swap3A_82 = arith.constant 0 : index
        %swap3A_83 = vector.load %arg5[%swap3A_81, %swap3A_82] : memref<128x128xf32, #tpu.memory_space<vmem>>, vector<1x128xf32>
        tpu.vector_store %arg5[%swap3A_81, %swap3A_82], %add3A_80 {strides = array<i32>} : memref<128x128xf32, #tpu.memory_space<vmem>>, vector<1x128xf32>,
        %scan3A_84 = arith.constant 4 : i32
        %scan3A_85 = arith.addi %scan3A_49, %scan3A_84 : i32
        %get3A_86 = arith.index_cast %scan3A_85 : i32 to index
        %get3A_87 = arith.constant 0 : index
        %get3A_88 = vector.load %arg4[%get3A_86, %get3A_87] : memref<128x128xf32, #tpu.memory_space<vmem>>, vector<1x128xf32>
        %add3A_89 = arith.addf %add3A_80, %get3A_88 : vector<1x128xf32>
        %swap3A_90 = arith.index_cast %scan3A_85 : i32 to index
        %swap3A_91 = arith.constant 0 : index
        %swap3A_92 = vector.load %arg5[%swap3A_90, %swap3A_91] : memref<128x128xf32, #tpu.memory_space<vmem>>, vector<1x128xf32>
        tpu.vector_store %arg5[%swap3A_90, %swap3A_91], %add3A_89 {strides = array<i32>} : memref<128x128xf32, #tpu.memory_space<vmem>>, vector<1x128xf32>,
        %scan3A_93 = arith.constant 5 : i32
        %scan3A_94 = arith.addi %scan3A_49, %scan3A_93 : i32
        %get3A_95 = arith.index_cast %scan3A_94 : i32 to index
        %get3A_96 = arith.constant 0 : index
        %get3A_97 = vector.load %arg4[%get3A_95, %get3A_96] : memref<128x128xf32, #tpu.memory_space<vmem>>, vector<1x128xf32>
        %add3A_98 = arith.addf %add3A_89, %get3A_97 : vector<1x128xf32>
        %swap3A_99 = arith.index_cast %scan3A_94 : i32 to index
        %swap3A_100 = arith.constant 0 : index
        %swap3A_101 = vector.load %arg5[%swap3A_99, %swap3A_100] : memref<128x128xf32, #tpu.memory_space<vmem>>, vector<1x128xf32>
        tpu.vector_store %arg5[%swap3A_99, %swap3A_100], %add3A_98 {strides = array<i32>} : memref<128x128xf32, #tpu.memory_space<vmem>>, vector<1x128xf32>,
        %scan3A_102 = arith.constant 6 : i32
        %scan3A_103 = arith.addi %scan3A_49, %scan3A_102 : i32
        %get3A_104 = arith.index_cast %scan3A_103 : i32 to index
        %get3A_105 = arith.constant 0 : index
        %get3A_106 = vector.load %arg4[%get3A_104, %get3A_105] : memref<128x128xf32, #tpu.memory_space<vmem>>, vector<1x128xf32>
        %add3A_107 = arith.addf %add3A_98, %get3A_106 : vector<1x128xf32>
        %swap3A_108 = arith.index_cast %scan3A_103 : i32 to index
        %swap3A_109 = arith.constant 0 : index
        %swap3A_110 = vector.load %arg5[%swap3A_108, %swap3A_109] : memref<128x128xf32, #tpu.memory_space<vmem>>, vector<1x128xf32>
        tpu.vector_store %arg5[%swap3A_108, %swap3A_109], %add3A_107 {strides = array<i32>} : memref<128x128xf32, #tpu.memory_space<vmem>>, vector<1x128xf32>,
        %scan3A_111 = arith.constant 7 : i32
        %scan3A_112 = arith.addi %scan3A_49, %scan3A_111 : i32
        %get3A_113 = arith.index_cast %scan3A_112 : i32 to index
        %get3A_114 = arith.constant 0 : index
        %get3A_115 = vector.load %arg4[%get3A_113, %get3A_114] : memref<128x128xf32, #tpu.memory_space<vmem>>, vector<1x128xf32>
        %add3A_116 = arith.addf %add3A_107, %get3A_115 : vector<1x128xf32>
        %swap3A_117 = arith.index_cast %scan3A_112 : i32 to index
        %swap3A_118 = arith.constant 0 : index
        %swap3A_119 = vector.load %arg5[%swap3A_117, %swap3A_118] : memref<128x128xf32, #tpu.memory_space<vmem>>, vector<1x128xf32>
        tpu.vector_store %arg5[%swap3A_117, %swap3A_118], %add3A_116 {strides = array<i32>} : memref<128x128xf32, #tpu.memory_space<vmem>>, vector<1x128xf32>,
        scf.yield %add3A_116 : vector<1x128xf32>
      }
      %scan3A_22 = arith.constant 128 : i32
      %get3A_23 = arith.constant 0 : index
      %get3A_24 = arith.constant 0 : index
      %get3A_25 = vector.load %arg5[%get3A_23, %get3A_24] : memref<128x128xf32, #tpu.memory_space<vmem>>, vector<128x128xf32>
      %transpose3A = tpu.transpose %get3A_25, [1, 0] : vector<128x128xf32> -> vector<128x128xf32>
      %swap3A_26 = arith.constant 0 : index
      %swap3A_27 = arith.constant 0 : index
      %swap3A_28 = vector.load %arg4[%swap3A_26, %swap3A_27] : memref<128x128xf32, #tpu.memory_space<vmem>>, vector<128x128xf32>
      tpu.vector_store %arg4[%swap3A_26, %swap3A_27], %transpose3A {strides = array<i32>} : memref<128x128xf32, #tpu.memory_space<vmem>>, vector<128x128xf32>,
      %broadcast_in_dim3A_29 = arith.constant 0.000000e+00 : f32
      %broadcast_in_dim3A_30 = vector.broadcast %broadcast_in_dim3A_29 : f32 to vector<1x128xf32>
      %scan3A_31 = arith.constant 0 : i32
      %scan3A_32 = arith.constant 128 : i32
      %scan3A_33 = arith.addi %scan3A_31, %scan3A_32 : i32
      %scan3A_34 = arith.constant 8 : i32
      %scan3A_35 = scf.for %scan3A_49 = %scan3A_31 to %scan3A_33 step %scan3A_34 iter_args(%scan3A_50 = %broadcast_in_dim3A_30) -> (vector<1x128xf32>)  : i32 {
        %get3A_51 = arith.index_cast %scan3A_49 : i32 to index
        %get3A_52 = arith.constant 0 : index
        %get3A_53 = vector.load %arg4[%get3A_51, %get3A_52] : memref<128x128xf32, #tpu.memory_space<vmem>>, vector<1x128xf32>
        %add3A = arith.addf %scan3A_50, %get3A_53 : vector<1x128xf32>
        %swap3A_54 = arith.index_cast %scan3A_49 : i32 to index
        %swap3A_55 = arith.constant 0 : index
        %swap3A_56 = vector.load %arg5[%swap3A_54, %swap3A_55] : memref<128x128xf32, #tpu.memory_space<vmem>>, vector<1x128xf32>
        tpu.vector_store %arg5[%swap3A_54, %swap3A_55], %add3A {strides = array<i32>} : memref<128x128xf32, #tpu.memory_space<vmem>>, vector<1x128xf32>,
        %scan3A_57 = arith.constant 1 : i32
        %scan3A_58 = arith.addi %scan3A_49, %scan3A_57 : i32
        %get3A_59 = arith.index_cast %scan3A_58 : i32 to index
        %get3A_60 = arith.constant 0 : index
        %get3A_61 = vector.load %arg4[%get3A_59, %get3A_60] : memref<128x128xf32, #tpu.memory_space<vmem>>, vector<1x128xf32>
        %add3A_62 = arith.addf %add3A, %get3A_61 : vector<1x128xf32>
        %swap3A_63 = arith.index_cast %scan3A_58 : i32 to index
        %swap3A_64 = arith.constant 0 : index
        %swap3A_65 = vector.load %arg5[%swap3A_63, %swap3A_64] : memref<128x128xf32, #tpu.memory_space<vmem>>, vector<1x128xf32>
        tpu.vector_store %arg5[%swap3A_63, %swap3A_64], %add3A_62 {strides = array<i32>} : memref<128x128xf32, #tpu.memory_space<vmem>>, vector<1x128xf32>,
        %scan3A_66 = arith.constant 2 : i32
        %scan3A_67 = arith.addi %scan3A_49, %scan3A_66 : i32
        %get3A_68 = arith.index_cast %scan3A_67 : i32 to index
        %get3A_69 = arith.constant 0 : index
        %get3A_70 = vector.load %arg4[%get3A_68, %get3A_69] : memref<128x128xf32, #tpu.memory_space<vmem>>, vector<1x128xf32>
        %add3A_71 = arith.addf %add3A_62, %get3A_70 : vector<1x128xf32>
        %swap3A_72 = arith.index_cast %scan3A_67 : i32 to index
        %swap3A_73 = arith.constant 0 : index
        %swap3A_74 = vector.load %arg5[%swap3A_72, %swap3A_73] : memref<128x128xf32, #tpu.memory_space<vmem>>, vector<1x128xf32>
        tpu.vector_store %arg5[%swap3A_72, %swap3A_73], %add3A_71 {strides = array<i32>} : memref<128x128xf32, #tpu.memory_space<vmem>>, vector<1x128xf32>,
        %scan3A_75 = arith.constant 3 : i32
        %scan3A_76 = arith.addi %scan3A_49, %scan3A_75 : i32
        %get3A_77 = arith.index_cast %scan3A_76 : i32 to index
        %get3A_78 = arith.constant 0 : index
        %get3A_79 = vector.load %arg4[%get3A_77, %get3A_78] : memref<128x128xf32, #tpu.memory_space<vmem>>, vector<1x128xf32>
        %add3A_80 = arith.addf %add3A_71, %get3A_79 : vector<1x128xf32>
        %swap3A_81 = arith.index_cast %scan3A_76 : i32 to index
        %swap3A_82 = arith.constant 0 : index
        %swap3A_83 = vector.load %arg5[%swap3A_81, %swap3A_82] : memref<128x128xf32, #tpu.memory_space<vmem>>, vector<1x128xf32>
        tpu.vector_store %arg5[%swap3A_81, %swap3A_82], %add3A_80 {strides = array<i32>} : memref<128x128xf32, #tpu.memory_space<vmem>>, vector<1x128xf32>,
        %scan3A_84 = arith.constant 4 : i32
        %scan3A_85 = arith.addi %scan3A_49, %scan3A_84 : i32
        %get3A_86 = arith.index_cast %scan3A_85 : i32 to index
        %get3A_87 = arith.constant 0 : index
        %get3A_88 = vector.load %arg4[%get3A_86, %get3A_87] : memref<128x128xf32, #tpu.memory_space<vmem>>, vector<1x128xf32>
        %add3A_89 = arith.addf %add3A_80, %get3A_88 : vector<1x128xf32>
        %swap3A_90 = arith.index_cast %scan3A_85 : i32 to index
        %swap3A_91 = arith.constant 0 : index
        %swap3A_92 = vector.load %arg5[%swap3A_90, %swap3A_91] : memref<128x128xf32, #tpu.memory_space<vmem>>, vector<1x128xf32>
        tpu.vector_store %arg5[%swap3A_90, %swap3A_91], %add3A_89 {strides = array<i32>} : memref<128x128xf32, #tpu.memory_space<vmem>>, vector<1x128xf32>,
        %scan3A_93 = arith.constant 5 : i32
        %scan3A_94 = arith.addi %scan3A_49, %scan3A_93 : i32
        %get3A_95 = arith.index_cast %scan3A_94 : i32 to index
        %get3A_96 = arith.constant 0 : index
        %get3A_97 = vector.load %arg4[%get3A_95, %get3A_96] : memref<128x128xf32, #tpu.memory_space<vmem>>, vector<1x128xf32>
        %add3A_98 = arith.addf %add3A_89, %get3A_97 : vector<1x128xf32>
        %swap3A_99 = arith.index_cast %scan3A_94 : i32 to index
        %swap3A_100 = arith.constant 0 : index
        %swap3A_101 = vector.load %arg5[%swap3A_99, %swap3A_100] : memref<128x128xf32, #tpu.memory_space<vmem>>, vector<1x128xf32>
        tpu.vector_store %arg5[%swap3A_99, %swap3A_100], %add3A_98 {strides = array<i32>} : memref<128x128xf32, #tpu.memory_space<vmem>>, vector<1x128xf32>,
        %scan3A_102 = arith.constant 6 : i32
        %scan3A_103 = arith.addi %scan3A_49, %scan3A_102 : i32
        %get3A_104 = arith.index_cast %scan3A_103 : i32 to index
        %get3A_105 = arith.constant 0 : index
        %get3A_106 = vector.load %arg4[%get3A_104, %get3A_105] : memref<128x128xf32, #tpu.memory_space<vmem>>, vector<1x128xf32>
        %add3A_107 = arith.addf %add3A_98, %get3A_106 : vector<1x128xf32>
        %swap3A_108 = arith.index_cast %scan3A_103 : i32 to index
        %swap3A_109 = arith.constant 0 : index
        %swap3A_110 = vector.load %arg5[%swap3A_108, %swap3A_109] : memref<128x128xf32, #tpu.memory_space<vmem>>, vector<1x128xf32>
        tpu.vector_store %arg5[%swap3A_108, %swap3A_109], %add3A_107 {strides = array<i32>} : memref<128x128xf32, #tpu.memory_space<vmem>>, vector<1x128xf32>,
        %scan3A_111 = arith.constant 7 : i32
        %scan3A_112 = arith.addi %scan3A_49, %scan3A_111 : i32
        %get3A_113 = arith.index_cast %scan3A_112 : i32 to index
        %get3A_114 = arith.constant 0 : index
        %get3A_115 = vector.load %arg4[%get3A_113, %get3A_114] : memref<128x128xf32, #tpu.memory_space<vmem>>, vector<1x128xf32>
        %add3A_116 = arith.addf %add3A_107, %get3A_115 : vector<1x128xf32>
        %swap3A_117 = arith.index_cast %scan3A_112 : i32 to index
        %swap3A_118 = arith.constant 0 : index
        %swap3A_119 = vector.load %arg5[%swap3A_117, %swap3A_118] : memref<128x128xf32, #tpu.memory_space<vmem>>, vector<1x128xf32>
        tpu.vector_store %arg5[%swap3A_117, %swap3A_118], %add3A_116 {strides = array<i32>} : memref<128x128xf32, #tpu.memory_space<vmem>>, vector<1x128xf32>,
        scf.yield %add3A_116 : vector<1x128xf32>
      }
      %scan3A_36 = arith.constant 128 : i32
      %broadcast_in_dim3A_37 = arith.constant 0.000000e+00 : f32
      %broadcast_in_dim3A_38 = vector.broadcast %broadcast_in_dim3A_37 : f32 to vector<129x129xf32>
      %swap3A_39 = arith.constant 0 : index
      %swap3A_40 = arith.constant 0 : index
      %swap3A_41 = vector.load %arg3[%swap3A_39, %swap3A_40] : memref<129x129xf32, #tpu.memory_space<vmem>>, vector<129x129xf32>
      tpu.vector_store %arg3[%swap3A_39, %swap3A_40], %broadcast_in_dim3A_38 {strides = array<i32>} : memref<129x129xf32, #tpu.memory_space<vmem>>, vector<129x129xf32>,
      %get3A_42 = arith.constant 0 : index
      %get3A_43 = arith.constant 0 : index
      %get3A_44 = vector.load %arg5[%get3A_42, %get3A_43] : memref<128x128xf32, #tpu.memory_space<vmem>>, vector<128x128xf32>
      %transpose3A_45 = tpu.transpose %get3A_44, [1, 0] : vector<128x128xf32> -> vector<128x128xf32>
      %swap3A_46 = arith.constant 1 : index
      %swap3A_47 = arith.constant 1 : index
      %swap3A_48 = vector.load %arg3[%swap3A_46, %swap3A_47] : memref<129x129xf32, #tpu.memory_space<vmem>>, vector<128x128xf32>
      tpu.vector_store %arg3[%swap3A_46, %swap3A_47], %transpose3A_45 {strides = array<i32>} : memref<129x129xf32, #tpu.memory_space<vmem>>, vector<128x128xf32>,
    } else {
    }
    return
  }
  func.func @transform_0(%arg0: i32) -> (i32, i32, i32) {
    %c0_i32 = arith.constant 0 : i32
    %c0_i32_0 = arith.constant 0 : i32
    %c0_i32_1 = arith.constant 0 : i32
    return %arg0, %c0_i32, %c0_i32_0 : i32, i32, i32
  }
  func.func @transform_1(%arg0: i32) -> (i32, i32) {
    %c0_i32 = arith.constant 0 : i32
    %c0_i32_0 = arith.constant 0 : i32
    return %arg0, %c0_i32 : i32, i32
  }
  func.func @transform_2(%arg0: i32) -> (i32, i32) {
    %c0_i32 = arith.constant 0 : i32
    %c0_i32_0 = arith.constant 0 : i32
    %c0_i32_1 = arith.constant 0 : i32
    return %c0_i32, %c0_i32_0 : i32, i32
  }
}

module attributes {stable_mosaic.version = 14 : i64} {
  func.func @_sel_body(%arg0: memref<160x128xf32, #tpu.memory_space<vmem>>, %arg1: memref<160x128xf32, #tpu.memory_space<vmem>>) attributes {dimension_semantics = [], scalar_prefetch = 0 : i64, scratch_operands = 0 : i64, tpu.core_type = #tpu.core_type<tc>} {
    %get3A = arith.constant 0 : index
    %get3A_0 = arith.constant 0 : index
    %get3A_1 = vector.load %arg0[%get3A, %get3A_0] : memref<160x128xf32, #tpu.memory_space<vmem>>, vector<160x128xf32>
    %bitcast_convert_type3A = tpu.bitcast %get3A_1 : vector<160x128xf32> -> vector<160x128xi32>
    %shift_right_arithmetic3A = arith.constant 31 : i32
    %shift_right_arithmetic3A_2 = vector.broadcast %shift_right_arithmetic3A : i32 to vector<160x128xi32>
    %shift_right_arithmetic3A_3 = arith.shrsi %bitcast_convert_type3A, %shift_right_arithmetic3A_2 : vector<160x128xi32>
    %and3A = arith.constant 2147483647 : i32
    %and3A_4 = vector.broadcast %and3A : i32 to vector<160x128xi32>
    %and3A_5 = arith.andi %shift_right_arithmetic3A_3, %and3A_4 : vector<160x128xi32>
    %xor3A = arith.xori %bitcast_convert_type3A, %and3A_5 : vector<160x128xi32>
    %scan3A = arith.constant 0 : i32
    %scan3A_6 = arith.constant 0 : i32
    %scan3A_7 = arith.constant 32 : i32
    %scan3A_8 = arith.addi %scan3A_6, %scan3A_7 : i32
    %scan3A_9 = arith.constant 1 : i32
    %scan3A_10 = scf.for %scan3A_55 = %scan3A_6 to %scan3A_8 step %scan3A_9 iter_args(%scan3A_56 = %scan3A) -> (i32)  : i32 {
      %sub3A_57 = arith.constant 31 : i32
      %sub3A_58 = arith.subi %sub3A_57, %scan3A_55 : i32
      %shift_left3A = arith.constant 1 : i32
      %shift_left3A_59 = arith.shli %shift_left3A, %sub3A_58 : i32
      %or3A_60 = arith.ori %scan3A_56, %shift_left3A_59 : i32
      %xor3A_61 = arith.constant -2147483648 : i32
      %xor3A_62 = arith.xori %or3A_60, %xor3A_61 : i32
      %ge3A = vector.broadcast %xor3A_62 : i32 to vector<160x128xi32>
      %ge3A_63 = arith.cmpi sge, %xor3A, %ge3A : vector<160x128xi32>
      %convert_element_type3A_64 = arith.extui %ge3A_63 : vector<160x128xi1> to vector<160x128xi32>
      %reduce_sum3A_65 = vector.shape_cast %convert_element_type3A_64 : vector<160x128xi32> to vector<1x160x128xi32>
      %reduce_sum3A_66 = arith.constant dense<0> : vector<1xi32>
      %reduce_sum3A_67 = vector.multi_reduction <add>, %reduce_sum3A_65, %reduce_sum3A_66 [1, 2] : vector<1x160x128xi32> to vector<1xi32>
      %reduce_sum3A_68 = vector.shape_cast %reduce_sum3A_67 : vector<1xi32> to vector<1x1x1xi32>
      %reduce_sum3A_69 = vector.extract %reduce_sum3A_68[0, 0, 0] : i32 from vector<1x1x1xi32>
      %ge3A_70 = arith.constant 1000 : i32
      %ge3A_71 = arith.cmpi sge, %reduce_sum3A_69, %ge3A_70 : i32
      %or3A_72 = arith.ori %scan3A_56, %shift_left3A_59 : i32
      %select_n3A_73 = arith.select %ge3A_71, %or3A_72, %scan3A_56 : i32
      scf.yield %select_n3A_73 : i32
    }
    %scan3A_11 = arith.constant 32 : i32
    %xor3A_12 = arith.constant -2147483648 : i32
    %xor3A_13 = arith.xori %scan3A_10, %xor3A_12 : i32
    %gt3A = vector.broadcast %xor3A_13 : i32 to vector<160x128xi32>
    %gt3A_14 = arith.cmpi sgt, %xor3A, %gt3A : vector<160x128xi32>
    %eq3A = vector.broadcast %xor3A_13 : i32 to vector<160x128xi32>
    %eq3A_15 = arith.cmpi eq, %xor3A, %eq3A : vector<160x128xi32>
    %convert_element_type3A = arith.extui %gt3A_14 : vector<160x128xi1> to vector<160x128xi32>
    %reduce_sum3A = vector.shape_cast %convert_element_type3A : vector<160x128xi32> to vector<1x160x128xi32>
    %reduce_sum3A_16 = arith.constant dense<0> : vector<1xi32>
    %reduce_sum3A_17 = vector.multi_reduction <add>, %reduce_sum3A, %reduce_sum3A_16 [1, 2] : vector<1x160x128xi32> to vector<1xi32>
    %reduce_sum3A_18 = vector.shape_cast %reduce_sum3A_17 : vector<1xi32> to vector<1x1x1xi32>
    %reduce_sum3A_19 = vector.extract %reduce_sum3A_18[0, 0, 0] : i32 from vector<1x1x1xi32>
    %sub3A = arith.constant 1000 : i32
    %sub3A_20 = arith.subi %sub3A, %reduce_sum3A_19 : i32
    %convert_element_type3A_21 = arith.sitofp %sub3A_20 : i32 to f32
    %iota3A = tpu.iota {dimensions = array<i32: 0>} : vector<128x128xi32>
    %iota3A_22 = tpu.iota {dimensions = array<i32: 1>} : vector<128x128xi32>
    %lt3A = arith.cmpi slt, %iota3A, %iota3A_22 : vector<128x128xi32>
    %convert_element_type3A_23 = arith.extui %lt3A : vector<128x128xi1> to vector<128x128xi32>
    %convert_element_type3A_24 = arith.sitofp %convert_element_type3A_23 : vector<128x128xi32> to vector<128x128xf32>
    %iota3A_25 = tpu.iota {dimensions = array<i32: 0>} : vector<160x160xi32>
    %iota3A_26 = tpu.iota {dimensions = array<i32: 1>} : vector<160x160xi32>
    %lt3A_27 = arith.cmpi slt, %iota3A_26, %iota3A_25 : vector<160x160xi32>
    %convert_element_type3A_28 = arith.extui %lt3A_27 : vector<160x160xi1> to vector<160x160xi32>
    %convert_element_type3A_29 = arith.sitofp %convert_element_type3A_28 : vector<160x160xi32> to vector<160x160xf32>
    %convert_element_type3A_30 = arith.extui %eq3A_15 : vector<160x128xi1> to vector<160x128xi32>
    %convert_element_type3A_31 = arith.sitofp %convert_element_type3A_30 : vector<160x128xi32> to vector<160x128xf32>
    %dot_general3A = arith.constant dense<0.000000e+00> : vector<160x128xf32>
    %dot_general3A_32 = tpu.matmul %convert_element_type3A_31, %convert_element_type3A_24, %dot_general3A {dimension_numbers = #tpu.dot_dimension_numbers<[1], [0], [0], [1], [0, 0, 1, 1], [], []>, precision = #tpu.contract_precision<fp32>, transpose_lhs_hint = false} : vector<160x128xf32>, vector<128x128xf32>, vector<160x128xf32> -> vector<160x128xf32>
    %reduce_sum3A_33 = arith.constant dense<0.000000e+00> : vector<160xf32>
    %reduce_sum3A_34 = vector.multi_reduction <add>, %convert_element_type3A_31, %reduce_sum3A_33 [1] : vector<160x128xf32> to vector<160xf32>
    %broadcast_in_dim3A = vector.shape_cast %reduce_sum3A_34 : vector<160xf32> to vector<160x1xf32>
    %dot_general3A_35 = arith.constant dense<0.000000e+00> : vector<160x1xf32>
    %dot_general3A_36 = tpu.matmul %convert_element_type3A_29, %broadcast_in_dim3A, %dot_general3A_35 {dimension_numbers = #tpu.dot_dimension_numbers<[1], [0], [0], [1], [0, 0, 1, 1], [], []>, precision = #tpu.contract_precision<fp32>, transpose_lhs_hint = false} : vector<160x160xf32>, vector<160x1xf32>, vector<160x1xf32> -> vector<160x1xf32>
    %add3A = vector.broadcast %dot_general3A_36 : vector<160x1xf32> to vector<160x128xf32>
    %add3A_37 = arith.addf %add3A, %dot_general3A_32 : vector<160x128xf32>
    %lt3A_38 = vector.broadcast %convert_element_type3A_21 : f32 to vector<160x128xf32>
    %lt3A_39 = arith.cmpf olt, %add3A_37, %lt3A_38 : vector<160x128xf32>
    %and3A_40 = arith.andi %eq3A_15, %lt3A_39 : vector<160x128xi1>
    %or3A = arith.ori %gt3A_14, %and3A_40 : vector<160x128xi1>
    %convert_element_type3A_41 = arith.extui %or3A : vector<160x128xi1> to vector<160x128xi32>
    %convert_element_type3A_42 = arith.sitofp %convert_element_type3A_41 : vector<160x128xi32> to vector<160x128xf32>
    %dot_general3A_43 = arith.constant dense<0.000000e+00> : vector<160x128xf32>
    %dot_general3A_44 = tpu.matmul %convert_element_type3A_42, %convert_element_type3A_24, %dot_general3A_43 {dimension_numbers = #tpu.dot_dimension_numbers<[1], [0], [0], [1], [0, 0, 1, 1], [], []>, precision = #tpu.contract_precision<fp32>, transpose_lhs_hint = false} : vector<160x128xf32>, vector<128x128xf32>, vector<160x128xf32> -> vector<160x128xf32>
    %reduce_sum3A_45 = arith.constant dense<0.000000e+00> : vector<160xf32>
    %reduce_sum3A_46 = vector.multi_reduction <add>, %convert_element_type3A_42, %reduce_sum3A_45 [1] : vector<160x128xf32> to vector<160xf32>
    %broadcast_in_dim3A_47 = vector.shape_cast %reduce_sum3A_46 : vector<160xf32> to vector<160x1xf32>
    %dot_general3A_48 = arith.constant dense<0.000000e+00> : vector<160x1xf32>
    %dot_general3A_49 = tpu.matmul %convert_element_type3A_29, %broadcast_in_dim3A_47, %dot_general3A_48 {dimension_numbers = #tpu.dot_dimension_numbers<[1], [0], [0], [1], [0, 0, 1, 1], [], []>, precision = #tpu.contract_precision<fp32>, transpose_lhs_hint = false} : vector<160x160xf32>, vector<160x1xf32>, vector<160x1xf32> -> vector<160x1xf32>
    %add3A_50 = vector.broadcast %dot_general3A_49 : vector<160x1xf32> to vector<160x128xf32>
    %add3A_51 = arith.addf %add3A_50, %dot_general3A_44 : vector<160x128xf32>
    %jit3A = arith.constant 4.000000e+03 : f32
    %broadcast_in_dim3A_52 = vector.broadcast %jit3A : f32 to vector<160x128xf32>
    %select_n3A = arith.select %or3A, %add3A_51, %broadcast_in_dim3A_52 : vector<160x128xi1>, vector<160x128xf32>
    %swap3A = arith.constant 0 : index
    %swap3A_53 = arith.constant 0 : index
    %swap3A_54 = vector.load %arg1[%swap3A, %swap3A_53] : memref<160x128xf32, #tpu.memory_space<vmem>>, vector<160x128xf32>
    tpu.vector_store %arg1[%swap3A, %swap3A_53], %select_n3A {strides = array<i32>} : memref<160x128xf32, #tpu.memory_space<vmem>>, vector<160x128xf32>,
    return
  }
}

module attributes {stable_mosaic.version = 14 : i64} {
  func.func @_order_body(%arg0: i32, %arg1: memref<1024x1xf32, #tpu.memory_space<vmem>>, %arg2: memref<1024x8xf32, #tpu.memory_space<vmem>>, %arg3: memref<1024x8xf32, #tpu.memory_space<vmem>>, %arg4: memref<1024x8xf32, #tpu.memory_space<vmem>>) attributes {dimension_semantics = [#tpu.dimension_semantics<arbitrary>], iteration_bounds = array<i64: 20>, scalar_prefetch = 0 : i64, scratch_operands = 1 : i64, tpu.core_type = #tpu.core_type<tc>, window_params = [{transform_indices = @transform_0, window_bounds = array<i64: 1024, 1>}, {transform_indices = @transform_1, window_bounds = array<i64: 1024, 8>}, {pipeline_mode = #tpu.pipeline_mode<synchronous>, transform_indices = @transform_2, window_bounds = array<i64: 1024, 8>}]} {
    %eq3A = arith.constant 0 : i32
    %eq3A_0 = arith.cmpi eq, %arg0, %eq3A : i32
    %convert_element_type3A = arith.extui %eq3A_0 : i1 to i32
    %cond3A = arith.constant 0 : i32
    %cond3A_1 = arith.cmpi ne, %convert_element_type3A, %cond3A : i32
    scf.if %cond3A_1 {
      %broadcast_in_dim3A = arith.constant 0.000000e+00 : f32
      %broadcast_in_dim3A_153 = vector.broadcast %broadcast_in_dim3A : f32 to vector<1024x8xf32>
      %swap3A_154 = arith.constant 0 : index
      %swap3A_155 = arith.constant 0 : index
      %swap3A_156 = vector.load %arg4[%swap3A_154, %swap3A_155] : memref<1024x8xf32, #tpu.memory_space<vmem>>, vector<1024x8xf32>
      tpu.vector_store %arg4[%swap3A_154, %swap3A_155], %broadcast_in_dim3A_153 {strides = array<i32>} : memref<1024x8xf32, #tpu.memory_space<vmem>>, vector<1024x8xf32>,
    } else {
    }
    %get3A = arith.constant 0 : index
    %get3A_2 = arith.constant 0 : index
    %get3A_3 = vector.load %arg1[%get3A, %get3A_2] : memref<1024x1xf32, #tpu.memory_space<vmem>>, vector<1024x1xf32>
    %get3A_4 = arith.constant 0 : index
    %get3A_5 = arith.constant 0 : index
    %get3A_6 = vector.load %arg2[%get3A_4, %get3A_5] : memref<1024x8xf32, #tpu.memory_space<vmem>>, vector<1024x8xf32>
    %iota3A = tpu.iota {dimensions = array<i32: 1>} : vector<1x128xi32>
    %add3A = arith.constant 0 : i32
    %add3A_7 = vector.broadcast %add3A : i32 to vector<1x128xi32>
    %add3A_8 = arith.addi %iota3A, %add3A_7 : vector<1x128xi32>
    %convert_element_type3A_9 = arith.sitofp %add3A_8 : vector<1x128xi32> to vector<1x128xf32>
    %eq3A_10 = vector.broadcast %get3A_3 : vector<1024x1xf32> to vector<1024x128xf32>
    %eq3A_11 = vector.broadcast %convert_element_type3A_9 : vector<1x128xf32> to vector<1024x128xf32>
    %eq3A_12 = arith.cmpf oeq, %eq3A_10, %eq3A_11 : vector<1024x128xf32>
    %convert_element_type3A_13 = arith.extui %eq3A_12 : vector<1024x128xi1> to vector<1024x128xi32>
    %convert_element_type3A_14 = arith.sitofp %convert_element_type3A_13 : vector<1024x128xi32> to vector<1024x128xf32>
    %dot_general3A = arith.constant dense<0.000000e+00> : vector<128x8xf32>
    %dot_general3A_15 = tpu.matmul %convert_element_type3A_14, %get3A_6, %dot_general3A {dimension_numbers = #tpu.dot_dimension_numbers<[0], [0], [1], [1], [0, 1, 1, 1], [], []>, precision = #tpu.contract_precision<fp32>, transpose_lhs_hint = false} : vector<1024x128xf32>, vector<1024x8xf32>, vector<128x8xf32> -> vector<128x8xf32>
    %get3A_16 = arith.constant 0 : index
    %get3A_17 = arith.constant 0 : index
    %get3A_18 = vector.load %arg4[%get3A_16, %get3A_17] : memref<1024x8xf32, #tpu.memory_space<vmem>>, vector<128x8xf32>
    %add3A_19 = arith.addf %get3A_18, %dot_general3A_15 : vector<128x8xf32>
    %swap3A = arith.constant 0 : index
    %swap3A_20 = arith.constant 0 : index
    %swap3A_21 = vector.load %arg4[%swap3A, %swap3A_20] : memref<1024x8xf32, #tpu.memory_space<vmem>>, vector<128x8xf32>
    tpu.vector_store %arg4[%swap3A, %swap3A_20], %add3A_19 {strides = array<i32>} : memref<1024x8xf32, #tpu.memory_space<vmem>>, vector<128x8xf32>,
    %add3A_22 = arith.constant 128 : i32
    %add3A_23 = vector.broadcast %add3A_22 : i32 to vector<1x128xi32>
    %add3A_24 = arith.addi %iota3A, %add3A_23 : vector<1x128xi32>
    %convert_element_type3A_25 = arith.sitofp %add3A_24 : vector<1x128xi32> to vector<1x128xf32>
    %eq3A_26 = vector.broadcast %get3A_3 : vector<1024x1xf32> to vector<1024x128xf32>
    %eq3A_27 = vector.broadcast %convert_element_type3A_25 : vector<1x128xf32> to vector<1024x128xf32>
    %eq3A_28 = arith.cmpf oeq, %eq3A_26, %eq3A_27 : vector<1024x128xf32>
    %convert_element_type3A_29 = arith.extui %eq3A_28 : vector<1024x128xi1> to vector<1024x128xi32>
    %convert_element_type3A_30 = arith.sitofp %convert_element_type3A_29 : vector<1024x128xi32> to vector<1024x128xf32>
    %dot_general3A_31 = arith.constant dense<0.000000e+00> : vector<128x8xf32>
    %dot_general3A_32 = tpu.matmul %convert_element_type3A_30, %get3A_6, %dot_general3A_31 {dimension_numbers = #tpu.dot_dimension_numbers<[0], [0], [1], [1], [0, 1, 1, 1], [], []>, precision = #tpu.contract_precision<fp32>, transpose_lhs_hint = false} : vector<1024x128xf32>, vector<1024x8xf32>, vector<128x8xf32> -> vector<128x8xf32>
    %get3A_33 = arith.constant 128 : index
    %get3A_34 = arith.constant 0 : index
    %get3A_35 = vector.load %arg4[%get3A_33, %get3A_34] : memref<1024x8xf32, #tpu.memory_space<vmem>>, vector<128x8xf32>
    %add3A_36 = arith.addf %get3A_35, %dot_general3A_32 : vector<128x8xf32>
    %swap3A_37 = arith.constant 128 : index
    %swap3A_38 = arith.constant 0 : index
    %swap3A_39 = vector.load %arg4[%swap3A_37, %swap3A_38] : memref<1024x8xf32, #tpu.memory_space<vmem>>, vector<128x8xf32>
    tpu.vector_store %arg4[%swap3A_37, %swap3A_38], %add3A_36 {strides = array<i32>} : memref<1024x8xf32, #tpu.memory_space<vmem>>, vector<128x8xf32>,
    %add3A_40 = arith.constant 256 : i32
    %add3A_41 = vector.broadcast %add3A_40 : i32 to vector<1x128xi32>
    %add3A_42 = arith.addi %iota3A, %add3A_41 : vector<1x128xi32>
    %convert_element_type3A_43 = arith.sitofp %add3A_42 : vector<1x128xi32> to vector<1x128xf32>
    %eq3A_44 = vector.broadcast %get3A_3 : vector<1024x1xf32> to vector<1024x128xf32>
    %eq3A_45 = vector.broadcast %convert_element_type3A_43 : vector<1x128xf32> to vector<1024x128xf32>
    %eq3A_46 = arith.cmpf oeq, %eq3A_44, %eq3A_45 : vector<1024x128xf32>
    %convert_element_type3A_47 = arith.extui %eq3A_46 : vector<1024x128xi1> to vector<1024x128xi32>
    %convert_element_type3A_48 = arith.sitofp %convert_element_type3A_47 : vector<1024x128xi32> to vector<1024x128xf32>
    %dot_general3A_49 = arith.constant dense<0.000000e+00> : vector<128x8xf32>
    %dot_general3A_50 = tpu.matmul %convert_element_type3A_48, %get3A_6, %dot_general3A_49 {dimension_numbers = #tpu.dot_dimension_numbers<[0], [0], [1], [1], [0, 1, 1, 1], [], []>, precision = #tpu.contract_precision<fp32>, transpose_lhs_hint = false} : vector<1024x128xf32>, vector<1024x8xf32>, vector<128x8xf32> -> vector<128x8xf32>
    %get3A_51 = arith.constant 256 : index
    %get3A_52 = arith.constant 0 : index
    %get3A_53 = vector.load %arg4[%get3A_51, %get3A_52] : memref<1024x8xf32, #tpu.memory_space<vmem>>, vector<128x8xf32>
    %add3A_54 = arith.addf %get3A_53, %dot_general3A_50 : vector<128x8xf32>
    %swap3A_55 = arith.constant 256 : index
    %swap3A_56 = arith.constant 0 : index
    %swap3A_57 = vector.load %arg4[%swap3A_55, %swap3A_56] : memref<1024x8xf32, #tpu.memory_space<vmem>>, vector<128x8xf32>
    tpu.vector_store %arg4[%swap3A_55, %swap3A_56], %add3A_54 {strides = array<i32>} : memref<1024x8xf32, #tpu.memory_space<vmem>>, vector<128x8xf32>,
    %add3A_58 = arith.constant 384 : i32
    %add3A_59 = vector.broadcast %add3A_58 : i32 to vector<1x128xi32>
    %add3A_60 = arith.addi %iota3A, %add3A_59 : vector<1x128xi32>
    %convert_element_type3A_61 = arith.sitofp %add3A_60 : vector<1x128xi32> to vector<1x128xf32>
    %eq3A_62 = vector.broadcast %get3A_3 : vector<1024x1xf32> to vector<1024x128xf32>
    %eq3A_63 = vector.broadcast %convert_element_type3A_61 : vector<1x128xf32> to vector<1024x128xf32>
    %eq3A_64 = arith.cmpf oeq, %eq3A_62, %eq3A_63 : vector<1024x128xf32>
    %convert_element_type3A_65 = arith.extui %eq3A_64 : vector<1024x128xi1> to vector<1024x128xi32>
    %convert_element_type3A_66 = arith.sitofp %convert_element_type3A_65 : vector<1024x128xi32> to vector<1024x128xf32>
    %dot_general3A_67 = arith.constant dense<0.000000e+00> : vector<128x8xf32>
    %dot_general3A_68 = tpu.matmul %convert_element_type3A_66, %get3A_6, %dot_general3A_67 {dimension_numbers = #tpu.dot_dimension_numbers<[0], [0], [1], [1], [0, 1, 1, 1], [], []>, precision = #tpu.contract_precision<fp32>, transpose_lhs_hint = false} : vector<1024x128xf32>, vector<1024x8xf32>, vector<128x8xf32> -> vector<128x8xf32>
    %get3A_69 = arith.constant 384 : index
    %get3A_70 = arith.constant 0 : index
    %get3A_71 = vector.load %arg4[%get3A_69, %get3A_70] : memref<1024x8xf32, #tpu.memory_space<vmem>>, vector<128x8xf32>
    %add3A_72 = arith.addf %get3A_71, %dot_general3A_68 : vector<128x8xf32>
    %swap3A_73 = arith.constant 384 : index
    %swap3A_74 = arith.constant 0 : index
    %swap3A_75 = vector.load %arg4[%swap3A_73, %swap3A_74] : memref<1024x8xf32, #tpu.memory_space<vmem>>, vector<128x8xf32>
    tpu.vector_store %arg4[%swap3A_73, %swap3A_74], %add3A_72 {strides = array<i32>} : memref<1024x8xf32, #tpu.memory_space<vmem>>, vector<128x8xf32>,
    %add3A_76 = arith.constant 512 : i32
    %add3A_77 = vector.broadcast %add3A_76 : i32 to vector<1x128xi32>
    %add3A_78 = arith.addi %iota3A, %add3A_77 : vector<1x128xi32>
    %convert_element_type3A_79 = arith.sitofp %add3A_78 : vector<1x128xi32> to vector<1x128xf32>
    %eq3A_80 = vector.broadcast %get3A_3 : vector<1024x1xf32> to vector<1024x128xf32>
    %eq3A_81 = vector.broadcast %convert_element_type3A_79 : vector<1x128xf32> to vector<1024x128xf32>
    %eq3A_82 = arith.cmpf oeq, %eq3A_80, %eq3A_81 : vector<1024x128xf32>
    %convert_element_type3A_83 = arith.extui %eq3A_82 : vector<1024x128xi1> to vector<1024x128xi32>
    %convert_element_type3A_84 = arith.sitofp %convert_element_type3A_83 : vector<1024x128xi32> to vector<1024x128xf32>
    %dot_general3A_85 = arith.constant dense<0.000000e+00> : vector<128x8xf32>
    %dot_general3A_86 = tpu.matmul %convert_element_type3A_84, %get3A_6, %dot_general3A_85 {dimension_numbers = #tpu.dot_dimension_numbers<[0], [0], [1], [1], [0, 1, 1, 1], [], []>, precision = #tpu.contract_precision<fp32>, transpose_lhs_hint = false} : vector<1024x128xf32>, vector<1024x8xf32>, vector<128x8xf32> -> vector<128x8xf32>
    %get3A_87 = arith.constant 512 : index
    %get3A_88 = arith.constant 0 : index
    %get3A_89 = vector.load %arg4[%get3A_87, %get3A_88] : memref<1024x8xf32, #tpu.memory_space<vmem>>, vector<128x8xf32>
    %add3A_90 = arith.addf %get3A_89, %dot_general3A_86 : vector<128x8xf32>
    %swap3A_91 = arith.constant 512 : index
    %swap3A_92 = arith.constant 0 : index
    %swap3A_93 = vector.load %arg4[%swap3A_91, %swap3A_92] : memref<1024x8xf32, #tpu.memory_space<vmem>>, vector<128x8xf32>
    tpu.vector_store %arg4[%swap3A_91, %swap3A_92], %add3A_90 {strides = array<i32>} : memref<1024x8xf32, #tpu.memory_space<vmem>>, vector<128x8xf32>,
    %add3A_94 = arith.constant 640 : i32
    %add3A_95 = vector.broadcast %add3A_94 : i32 to vector<1x128xi32>
    %add3A_96 = arith.addi %iota3A, %add3A_95 : vector<1x128xi32>
    %convert_element_type3A_97 = arith.sitofp %add3A_96 : vector<1x128xi32> to vector<1x128xf32>
    %eq3A_98 = vector.broadcast %get3A_3 : vector<1024x1xf32> to vector<1024x128xf32>
    %eq3A_99 = vector.broadcast %convert_element_type3A_97 : vector<1x128xf32> to vector<1024x128xf32>
    %eq3A_100 = arith.cmpf oeq, %eq3A_98, %eq3A_99 : vector<1024x128xf32>
    %convert_element_type3A_101 = arith.extui %eq3A_100 : vector<1024x128xi1> to vector<1024x128xi32>
    %convert_element_type3A_102 = arith.sitofp %convert_element_type3A_101 : vector<1024x128xi32> to vector<1024x128xf32>
    %dot_general3A_103 = arith.constant dense<0.000000e+00> : vector<128x8xf32>
    %dot_general3A_104 = tpu.matmul %convert_element_type3A_102, %get3A_6, %dot_general3A_103 {dimension_numbers = #tpu.dot_dimension_numbers<[0], [0], [1], [1], [0, 1, 1, 1], [], []>, precision = #tpu.contract_precision<fp32>, transpose_lhs_hint = false} : vector<1024x128xf32>, vector<1024x8xf32>, vector<128x8xf32> -> vector<128x8xf32>
    %get3A_105 = arith.constant 640 : index
    %get3A_106 = arith.constant 0 : index
    %get3A_107 = vector.load %arg4[%get3A_105, %get3A_106] : memref<1024x8xf32, #tpu.memory_space<vmem>>, vector<128x8xf32>
    %add3A_108 = arith.addf %get3A_107, %dot_general3A_104 : vector<128x8xf32>
    %swap3A_109 = arith.constant 640 : index
    %swap3A_110 = arith.constant 0 : index
    %swap3A_111 = vector.load %arg4[%swap3A_109, %swap3A_110] : memref<1024x8xf32, #tpu.memory_space<vmem>>, vector<128x8xf32>
    tpu.vector_store %arg4[%swap3A_109, %swap3A_110], %add3A_108 {strides = array<i32>} : memref<1024x8xf32, #tpu.memory_space<vmem>>, vector<128x8xf32>,
    %add3A_112 = arith.constant 768 : i32
    %add3A_113 = vector.broadcast %add3A_112 : i32 to vector<1x128xi32>
    %add3A_114 = arith.addi %iota3A, %add3A_113 : vector<1x128xi32>
    %convert_element_type3A_115 = arith.sitofp %add3A_114 : vector<1x128xi32> to vector<1x128xf32>
    %eq3A_116 = vector.broadcast %get3A_3 : vector<1024x1xf32> to vector<1024x128xf32>
    %eq3A_117 = vector.broadcast %convert_element_type3A_115 : vector<1x128xf32> to vector<1024x128xf32>
    %eq3A_118 = arith.cmpf oeq, %eq3A_116, %eq3A_117 : vector<1024x128xf32>
    %convert_element_type3A_119 = arith.extui %eq3A_118 : vector<1024x128xi1> to vector<1024x128xi32>
    %convert_element_type3A_120 = arith.sitofp %convert_element_type3A_119 : vector<1024x128xi32> to vector<1024x128xf32>
    %dot_general3A_121 = arith.constant dense<0.000000e+00> : vector<128x8xf32>
    %dot_general3A_122 = tpu.matmul %convert_element_type3A_120, %get3A_6, %dot_general3A_121 {dimension_numbers = #tpu.dot_dimension_numbers<[0], [0], [1], [1], [0, 1, 1, 1], [], []>, precision = #tpu.contract_precision<fp32>, transpose_lhs_hint = false} : vector<1024x128xf32>, vector<1024x8xf32>, vector<128x8xf32> -> vector<128x8xf32>
    %get3A_123 = arith.constant 768 : index
    %get3A_124 = arith.constant 0 : index
    %get3A_125 = vector.load %arg4[%get3A_123, %get3A_124] : memref<1024x8xf32, #tpu.memory_space<vmem>>, vector<128x8xf32>
    %add3A_126 = arith.addf %get3A_125, %dot_general3A_122 : vector<128x8xf32>
    %swap3A_127 = arith.constant 768 : index
    %swap3A_128 = arith.constant 0 : index
    %swap3A_129 = vector.load %arg4[%swap3A_127, %swap3A_128] : memref<1024x8xf32, #tpu.memory_space<vmem>>, vector<128x8xf32>
    tpu.vector_store %arg4[%swap3A_127, %swap3A_128], %add3A_126 {strides = array<i32>} : memref<1024x8xf32, #tpu.memory_space<vmem>>, vector<128x8xf32>,
    %add3A_130 = arith.constant 896 : i32
    %add3A_131 = vector.broadcast %add3A_130 : i32 to vector<1x128xi32>
    %add3A_132 = arith.addi %iota3A, %add3A_131 : vector<1x128xi32>
    %convert_element_type3A_133 = arith.sitofp %add3A_132 : vector<1x128xi32> to vector<1x128xf32>
    %eq3A_134 = vector.broadcast %get3A_3 : vector<1024x1xf32> to vector<1024x128xf32>
    %eq3A_135 = vector.broadcast %convert_element_type3A_133 : vector<1x128xf32> to vector<1024x128xf32>
    %eq3A_136 = arith.cmpf oeq, %eq3A_134, %eq3A_135 : vector<1024x128xf32>
    %convert_element_type3A_137 = arith.extui %eq3A_136 : vector<1024x128xi1> to vector<1024x128xi32>
    %convert_element_type3A_138 = arith.sitofp %convert_element_type3A_137 : vector<1024x128xi32> to vector<1024x128xf32>
    %dot_general3A_139 = arith.constant dense<0.000000e+00> : vector<128x8xf32>
    %dot_general3A_140 = tpu.matmul %convert_element_type3A_138, %get3A_6, %dot_general3A_139 {dimension_numbers = #tpu.dot_dimension_numbers<[0], [0], [1], [1], [0, 1, 1, 1], [], []>, precision = #tpu.contract_precision<fp32>, transpose_lhs_hint = false} : vector<1024x128xf32>, vector<1024x8xf32>, vector<128x8xf32> -> vector<128x8xf32>
    %get3A_141 = arith.constant 896 : index
    %get3A_142 = arith.constant 0 : index
    %get3A_143 = vector.load %arg4[%get3A_141, %get3A_142] : memref<1024x8xf32, #tpu.memory_space<vmem>>, vector<128x8xf32>
    %add3A_144 = arith.addf %get3A_143, %dot_general3A_140 : vector<128x8xf32>
    %swap3A_145 = arith.constant 896 : index
    %swap3A_146 = arith.constant 0 : index
    %swap3A_147 = vector.load %arg4[%swap3A_145, %swap3A_146] : memref<1024x8xf32, #tpu.memory_space<vmem>>, vector<128x8xf32>
    tpu.vector_store %arg4[%swap3A_145, %swap3A_146], %add3A_144 {strides = array<i32>} : memref<1024x8xf32, #tpu.memory_space<vmem>>, vector<128x8xf32>,
    %eq3A_148 = arith.constant 19 : i32
    %eq3A_149 = arith.cmpi eq, %arg0, %eq3A_148 : i32
    %convert_element_type3A_150 = arith.extui %eq3A_149 : i1 to i32
    %cond3A_151 = arith.constant 0 : i32
    %cond3A_152 = arith.cmpi ne, %convert_element_type3A_150, %cond3A_151 : i32
    scf.if %cond3A_152 {
      %get3A_153 = arith.constant 0 : index
      %get3A_154 = arith.constant 0 : index
      %get3A_155 = vector.load %arg4[%get3A_153, %get3A_154] : memref<1024x8xf32, #tpu.memory_space<vmem>>, vector<1024x8xf32>
      %iota3A_156 = tpu.iota {dimensions = array<i32: 0>} : vector<1024x8xi32>
      %iota3A_157 = tpu.iota {dimensions = array<i32: 1>} : vector<1024x8xi32>
      %ge3A = arith.constant 1000 : i32
      %ge3A_158 = vector.broadcast %ge3A : i32 to vector<1024x8xi32>
      %ge3A_159 = arith.cmpi sge, %iota3A_156, %ge3A_158 : vector<1024x8xi32>
      %eq3A_160 = arith.constant 4 : i32
      %eq3A_161 = vector.broadcast %eq3A_160 : i32 to vector<1024x8xi32>
      %eq3A_162 = arith.cmpi eq, %iota3A_157, %eq3A_161 : vector<1024x8xi32>
      %and3A = arith.andi %ge3A_159, %eq3A_162 : vector<1024x8xi1>
      %jit3A = arith.constant -3.200000e+38 : f32
      %broadcast_in_dim3A = vector.broadcast %jit3A : f32 to vector<1024x8xf32>
      %select_n3A = arith.select %and3A, %broadcast_in_dim3A, %get3A_155 : vector<1024x8xi1>, vector<1024x8xf32>
      %eq3A_163 = arith.constant 5 : i32
      %eq3A_164 = vector.broadcast %eq3A_163 : i32 to vector<1024x8xi32>
      %eq3A_165 = arith.cmpi eq, %iota3A_157, %eq3A_164 : vector<1024x8xi32>
      %and3A_166 = arith.andi %ge3A_159, %eq3A_165 : vector<1024x8xi1>
      %jit3A_167 = arith.constant 3.000000e+07 : f32
      %broadcast_in_dim3A_168 = vector.broadcast %jit3A_167 : f32 to vector<1024x8xf32>
      %select_n3A_169 = arith.select %and3A_166, %broadcast_in_dim3A_168, %select_n3A : vector<1024x8xi1>, vector<1024x8xf32>
      %transpose3A = tpu.transpose %select_n3A_169, [1, 0] : vector<1024x8xf32> -> vector<8x1024xf32>
      %slice3A = vector.extract_strided_slice %select_n3A_169 {offsets = [0, 4], sizes = [1024, 1], strides = [1, 1]} : vector<1024x8xf32> to vector<1024x1xf32>
      %slice3A_170 = vector.extract_strided_slice %select_n3A_169 {offsets = [0, 5], sizes = [1024, 1], strides = [1, 1]} : vector<1024x8xf32> to vector<1024x1xf32>
      %slice3A_171 = vector.extract_strided_slice %transpose3A {offsets = [4, 0], sizes = [1, 1024], strides = [1, 1]} : vector<8x1024xf32> to vector<1x1024xf32>
      %slice3A_172 = vector.extract_strided_slice %transpose3A {offsets = [5, 0], sizes = [1, 1024], strides = [1, 1]} : vector<8x1024xf32> to vector<1x1024xf32>
      %gt3A = vector.broadcast %slice3A_171 : vector<1x1024xf32> to vector<1024x1024xf32>
      %gt3A_173 = vector.broadcast %slice3A : vector<1024x1xf32> to vector<1024x1024xf32>
      %gt3A_174 = arith.cmpf ogt, %gt3A, %gt3A_173 : vector<1024x1024xf32>
      %eq3A_175 = vector.broadcast %slice3A_171 : vector<1x1024xf32> to vector<1024x1024xf32>
      %eq3A_176 = vector.broadcast %slice3A : vector<1024x1xf32> to vector<1024x1024xf32>
      %eq3A_177 = arith.cmpf oeq, %eq3A_175, %eq3A_176 : vector<1024x1024xf32>
      %lt3A = vector.broadcast %slice3A_172 : vector<1x1024xf32> to vector<1024x1024xf32>
      %lt3A_178 = vector.broadcast %slice3A_170 : vector<1024x1xf32> to vector<1024x1024xf32>
      %lt3A_179 = arith.cmpf olt, %lt3A, %lt3A_178 : vector<1024x1024xf32>
      %and3A_180 = arith.andi %eq3A_177, %lt3A_179 : vector<1024x1024xi1>
      %or3A = arith.ori %gt3A_174, %and3A_180 : vector<1024x1024xi1>
      %convert_element_type3A_181 = arith.extui %or3A : vector<1024x1024xi1> to vector<1024x1024xi32>
      %convert_element_type3A_182 = arith.sitofp %convert_element_type3A_181 : vector<1024x1024xi32> to vector<1024x1024xf32>
      %reduce_sum3A = arith.constant dense<0.000000e+00> : vector<1024xf32>
      %reduce_sum3A_183 = vector.multi_reduction <add>, %convert_element_type3A_182, %reduce_sum3A [1] : vector<1024x1024xf32> to vector<1024xf32>
      %broadcast_in_dim3A_184 = vector.shape_cast %reduce_sum3A_183 : vector<1024xf32> to vector<1024x1xf32>
      %iota3A_185 = tpu.iota {dimensions = array<i32: 1>} : vector<1x128xi32>
      %add3A_186 = arith.constant 0 : i32
      %add3A_187 = vector.broadcast %add3A_186 : i32 to vector<1x128xi32>
      %add3A_188 = arith.addi %iota3A_185, %add3A_187 : vector<1x128xi32>
      %convert_element_type3A_189 = arith.sitofp %add3A_188 : vector<1x128xi32> to vector<1x128xf32>
      %eq3A_190 = vector.broadcast %broadcast_in_dim3A_184 : vector<1024x1xf32> to vector<1024x128xf32>
      %eq3A_191 = vector.broadcast %convert_element_type3A_189 : vector<1x128xf32> to vector<1024x128xf32>
      %eq3A_192 = arith.cmpf oeq, %eq3A_190, %eq3A_191 : vector<1024x128xf32>
      %convert_element_type3A_193 = arith.extui %eq3A_192 : vector<1024x128xi1> to vector<1024x128xi32>
      %convert_element_type3A_194 = arith.sitofp %convert_element_type3A_193 : vector<1024x128xi32> to vector<1024x128xf32>
      %dot_general3A_195 = arith.constant dense<0.000000e+00> : vector<128x8xf32>
      %dot_general3A_196 = tpu.matmul %convert_element_type3A_194, %select_n3A_169, %dot_general3A_195 {dimension_numbers = #tpu.dot_dimension_numbers<[0], [0], [1], [1], [0, 1, 1, 1], [], []>, precision = #tpu.contract_precision<fp32>, transpose_lhs_hint = false} : vector<1024x128xf32>, vector<1024x8xf32>, vector<128x8xf32> -> vector<128x8xf32>
      %swap3A_197 = arith.constant 0 : index
      %swap3A_198 = arith.constant 0 : index
      %swap3A_199 = vector.load %arg3[%swap3A_197, %swap3A_198] : memref<1024x8xf32, #tpu.memory_space<vmem>>, vector<128x8xf32>
      tpu.vector_store %arg3[%swap3A_197, %swap3A_198], %dot_general3A_196 {strides = array<i32>} : memref<1024x8xf32, #tpu.memory_space<vmem>>, vector<128x8xf32>,
      %add3A_200 = arith.constant 128 : i32
      %add3A_201 = vector.broadcast %add3A_200 : i32 to vector<1x128xi32>
      %add3A_202 = arith.addi %iota3A_185, %add3A_201 : vector<1x128xi32>
      %convert_element_type3A_203 = arith.sitofp %add3A_202 : vector<1x128xi32> to vector<1x128xf32>
      %eq3A_204 = vector.broadcast %broadcast_in_dim3A_184 : vector<1024x1xf32> to vector<1024x128xf32>
      %eq3A_205 = vector.broadcast %convert_element_type3A_203 : vector<1x128xf32> to vector<1024x128xf32>
      %eq3A_206 = arith.cmpf oeq, %eq3A_204, %eq3A_205 : vector<1024x128xf32>
      %convert_element_type3A_207 = arith.extui %eq3A_206 : vector<1024x128xi1> to vector<1024x128xi32>
      %convert_element_type3A_208 = arith.sitofp %convert_element_type3A_207 : vector<1024x128xi32> to vector<1024x128xf32>
      %dot_general3A_209 = arith.constant dense<0.000000e+00> : vector<128x8xf32>
      %dot_general3A_210 = tpu.matmul %convert_element_type3A_208, %select_n3A_169, %dot_general3A_209 {dimension_numbers = #tpu.dot_dimension_numbers<[0], [0], [1], [1], [0, 1, 1, 1], [], []>, precision = #tpu.contract_precision<fp32>, transpose_lhs_hint = false} : vector<1024x128xf32>, vector<1024x8xf32>, vector<128x8xf32> -> vector<128x8xf32>
      %swap3A_211 = arith.constant 128 : index
      %swap3A_212 = arith.constant 0 : index
      %swap3A_213 = vector.load %arg3[%swap3A_211, %swap3A_212] : memref<1024x8xf32, #tpu.memory_space<vmem>>, vector<128x8xf32>
      tpu.vector_store %arg3[%swap3A_211, %swap3A_212], %dot_general3A_210 {strides = array<i32>} : memref<1024x8xf32, #tpu.memory_space<vmem>>, vector<128x8xf32>,
      %add3A_214 = arith.constant 256 : i32
      %add3A_215 = vector.broadcast %add3A_214 : i32 to vector<1x128xi32>
      %add3A_216 = arith.addi %iota3A_185, %add3A_215 : vector<1x128xi32>
      %convert_element_type3A_217 = arith.sitofp %add3A_216 : vector<1x128xi32> to vector<1x128xf32>
      %eq3A_218 = vector.broadcast %broadcast_in_dim3A_184 : vector<1024x1xf32> to vector<1024x128xf32>
      %eq3A_219 = vector.broadcast %convert_element_type3A_217 : vector<1x128xf32> to vector<1024x128xf32>
      %eq3A_220 = arith.cmpf oeq, %eq3A_218, %eq3A_219 : vector<1024x128xf32>
      %convert_element_type3A_221 = arith.extui %eq3A_220 : vector<1024x128xi1> to vector<1024x128xi32>
      %convert_element_type3A_222 = arith.sitofp %convert_element_type3A_221 : vector<1024x128xi32> to vector<1024x128xf32>
      %dot_general3A_223 = arith.constant dense<0.000000e+00> : vector<128x8xf32>
      %dot_general3A_224 = tpu.matmul %convert_element_type3A_222, %select_n3A_169, %dot_general3A_223 {dimension_numbers = #tpu.dot_dimension_numbers<[0], [0], [1], [1], [0, 1, 1, 1], [], []>, precision = #tpu.contract_precision<fp32>, transpose_lhs_hint = false} : vector<1024x128xf32>, vector<1024x8xf32>, vector<128x8xf32> -> vector<128x8xf32>
      %swap3A_225 = arith.constant 256 : index
      %swap3A_226 = arith.constant 0 : index
      %swap3A_227 = vector.load %arg3[%swap3A_225, %swap3A_226] : memref<1024x8xf32, #tpu.memory_space<vmem>>, vector<128x8xf32>
      tpu.vector_store %arg3[%swap3A_225, %swap3A_226], %dot_general3A_224 {strides = array<i32>} : memref<1024x8xf32, #tpu.memory_space<vmem>>, vector<128x8xf32>,
      %add3A_228 = arith.constant 384 : i32
      %add3A_229 = vector.broadcast %add3A_228 : i32 to vector<1x128xi32>
      %add3A_230 = arith.addi %iota3A_185, %add3A_229 : vector<1x128xi32>
      %convert_element_type3A_231 = arith.sitofp %add3A_230 : vector<1x128xi32> to vector<1x128xf32>
      %eq3A_232 = vector.broadcast %broadcast_in_dim3A_184 : vector<1024x1xf32> to vector<1024x128xf32>
      %eq3A_233 = vector.broadcast %convert_element_type3A_231 : vector<1x128xf32> to vector<1024x128xf32>
      %eq3A_234 = arith.cmpf oeq, %eq3A_232, %eq3A_233 : vector<1024x128xf32>
      %convert_element_type3A_235 = arith.extui %eq3A_234 : vector<1024x128xi1> to vector<1024x128xi32>
      %convert_element_type3A_236 = arith.sitofp %convert_element_type3A_235 : vector<1024x128xi32> to vector<1024x128xf32>
      %dot_general3A_237 = arith.constant dense<0.000000e+00> : vector<128x8xf32>
      %dot_general3A_238 = tpu.matmul %convert_element_type3A_236, %select_n3A_169, %dot_general3A_237 {dimension_numbers = #tpu.dot_dimension_numbers<[0], [0], [1], [1], [0, 1, 1, 1], [], []>, precision = #tpu.contract_precision<fp32>, transpose_lhs_hint = false} : vector<1024x128xf32>, vector<1024x8xf32>, vector<128x8xf32> -> vector<128x8xf32>
      %swap3A_239 = arith.constant 384 : index
      %swap3A_240 = arith.constant 0 : index
      %swap3A_241 = vector.load %arg3[%swap3A_239, %swap3A_240] : memref<1024x8xf32, #tpu.memory_space<vmem>>, vector<128x8xf32>
      tpu.vector_store %arg3[%swap3A_239, %swap3A_240], %dot_general3A_238 {strides = array<i32>} : memref<1024x8xf32, #tpu.memory_space<vmem>>, vector<128x8xf32>,
      %add3A_242 = arith.constant 512 : i32
      %add3A_243 = vector.broadcast %add3A_242 : i32 to vector<1x128xi32>
      %add3A_244 = arith.addi %iota3A_185, %add3A_243 : vector<1x128xi32>
      %convert_element_type3A_245 = arith.sitofp %add3A_244 : vector<1x128xi32> to vector<1x128xf32>
      %eq3A_246 = vector.broadcast %broadcast_in_dim3A_184 : vector<1024x1xf32> to vector<1024x128xf32>
      %eq3A_247 = vector.broadcast %convert_element_type3A_245 : vector<1x128xf32> to vector<1024x128xf32>
      %eq3A_248 = arith.cmpf oeq, %eq3A_246, %eq3A_247 : vector<1024x128xf32>
      %convert_element_type3A_249 = arith.extui %eq3A_248 : vector<1024x128xi1> to vector<1024x128xi32>
      %convert_element_type3A_250 = arith.sitofp %convert_element_type3A_249 : vector<1024x128xi32> to vector<1024x128xf32>
      %dot_general3A_251 = arith.constant dense<0.000000e+00> : vector<128x8xf32>
      %dot_general3A_252 = tpu.matmul %convert_element_type3A_250, %select_n3A_169, %dot_general3A_251 {dimension_numbers = #tpu.dot_dimension_numbers<[0], [0], [1], [1], [0, 1, 1, 1], [], []>, precision = #tpu.contract_precision<fp32>, transpose_lhs_hint = false} : vector<1024x128xf32>, vector<1024x8xf32>, vector<128x8xf32> -> vector<128x8xf32>
      %swap3A_253 = arith.constant 512 : index
      %swap3A_254 = arith.constant 0 : index
      %swap3A_255 = vector.load %arg3[%swap3A_253, %swap3A_254] : memref<1024x8xf32, #tpu.memory_space<vmem>>, vector<128x8xf32>
      tpu.vector_store %arg3[%swap3A_253, %swap3A_254], %dot_general3A_252 {strides = array<i32>} : memref<1024x8xf32, #tpu.memory_space<vmem>>, vector<128x8xf32>,
      %add3A_256 = arith.constant 640 : i32
      %add3A_257 = vector.broadcast %add3A_256 : i32 to vector<1x128xi32>
      %add3A_258 = arith.addi %iota3A_185, %add3A_257 : vector<1x128xi32>
      %convert_element_type3A_259 = arith.sitofp %add3A_258 : vector<1x128xi32> to vector<1x128xf32>
      %eq3A_260 = vector.broadcast %broadcast_in_dim3A_184 : vector<1024x1xf32> to vector<1024x128xf32>
      %eq3A_261 = vector.broadcast %convert_element_type3A_259 : vector<1x128xf32> to vector<1024x128xf32>
      %eq3A_262 = arith.cmpf oeq, %eq3A_260, %eq3A_261 : vector<1024x128xf32>
      %convert_element_type3A_263 = arith.extui %eq3A_262 : vector<1024x128xi1> to vector<1024x128xi32>
      %convert_element_type3A_264 = arith.sitofp %convert_element_type3A_263 : vector<1024x128xi32> to vector<1024x128xf32>
      %dot_general3A_265 = arith.constant dense<0.000000e+00> : vector<128x8xf32>
      %dot_general3A_266 = tpu.matmul %convert_element_type3A_264, %select_n3A_169, %dot_general3A_265 {dimension_numbers = #tpu.dot_dimension_numbers<[0], [0], [1], [1], [0, 1, 1, 1], [], []>, precision = #tpu.contract_precision<fp32>, transpose_lhs_hint = false} : vector<1024x128xf32>, vector<1024x8xf32>, vector<128x8xf32> -> vector<128x8xf32>
      %swap3A_267 = arith.constant 640 : index
      %swap3A_268 = arith.constant 0 : index
      %swap3A_269 = vector.load %arg3[%swap3A_267, %swap3A_268] : memref<1024x8xf32, #tpu.memory_space<vmem>>, vector<128x8xf32>
      tpu.vector_store %arg3[%swap3A_267, %swap3A_268], %dot_general3A_266 {strides = array<i32>} : memref<1024x8xf32, #tpu.memory_space<vmem>>, vector<128x8xf32>,
      %add3A_270 = arith.constant 768 : i32
      %add3A_271 = vector.broadcast %add3A_270 : i32 to vector<1x128xi32>
      %add3A_272 = arith.addi %iota3A_185, %add3A_271 : vector<1x128xi32>
      %convert_element_type3A_273 = arith.sitofp %add3A_272 : vector<1x128xi32> to vector<1x128xf32>
      %eq3A_274 = vector.broadcast %broadcast_in_dim3A_184 : vector<1024x1xf32> to vector<1024x128xf32>
      %eq3A_275 = vector.broadcast %convert_element_type3A_273 : vector<1x128xf32> to vector<1024x128xf32>
      %eq3A_276 = arith.cmpf oeq, %eq3A_274, %eq3A_275 : vector<1024x128xf32>
      %convert_element_type3A_277 = arith.extui %eq3A_276 : vector<1024x128xi1> to vector<1024x128xi32>
      %convert_element_type3A_278 = arith.sitofp %convert_element_type3A_277 : vector<1024x128xi32> to vector<1024x128xf32>
      %dot_general3A_279 = arith.constant dense<0.000000e+00> : vector<128x8xf32>
      %dot_general3A_280 = tpu.matmul %convert_element_type3A_278, %select_n3A_169, %dot_general3A_279 {dimension_numbers = #tpu.dot_dimension_numbers<[0], [0], [1], [1], [0, 1, 1, 1], [], []>, precision = #tpu.contract_precision<fp32>, transpose_lhs_hint = false} : vector<1024x128xf32>, vector<1024x8xf32>, vector<128x8xf32> -> vector<128x8xf32>
      %swap3A_281 = arith.constant 768 : index
      %swap3A_282 = arith.constant 0 : index
      %swap3A_283 = vector.load %arg3[%swap3A_281, %swap3A_282] : memref<1024x8xf32, #tpu.memory_space<vmem>>, vector<128x8xf32>
      tpu.vector_store %arg3[%swap3A_281, %swap3A_282], %dot_general3A_280 {strides = array<i32>} : memref<1024x8xf32, #tpu.memory_space<vmem>>, vector<128x8xf32>,
      %add3A_284 = arith.constant 896 : i32
      %add3A_285 = vector.broadcast %add3A_284 : i32 to vector<1x128xi32>
      %add3A_286 = arith.addi %iota3A_185, %add3A_285 : vector<1x128xi32>
      %convert_element_type3A_287 = arith.sitofp %add3A_286 : vector<1x128xi32> to vector<1x128xf32>
      %eq3A_288 = vector.broadcast %broadcast_in_dim3A_184 : vector<1024x1xf32> to vector<1024x128xf32>
      %eq3A_289 = vector.broadcast %convert_element_type3A_287 : vector<1x128xf32> to vector<1024x128xf32>
      %eq3A_290 = arith.cmpf oeq, %eq3A_288, %eq3A_289 : vector<1024x128xf32>
      %convert_element_type3A_291 = arith.extui %eq3A_290 : vector<1024x128xi1> to vector<1024x128xi32>
      %convert_element_type3A_292 = arith.sitofp %convert_element_type3A_291 : vector<1024x128xi32> to vector<1024x128xf32>
      %dot_general3A_293 = arith.constant dense<0.000000e+00> : vector<128x8xf32>
      %dot_general3A_294 = tpu.matmul %convert_element_type3A_292, %select_n3A_169, %dot_general3A_293 {dimension_numbers = #tpu.dot_dimension_numbers<[0], [0], [1], [1], [0, 1, 1, 1], [], []>, precision = #tpu.contract_precision<fp32>, transpose_lhs_hint = false} : vector<1024x128xf32>, vector<1024x8xf32>, vector<128x8xf32> -> vector<128x8xf32>
      %swap3A_295 = arith.constant 896 : index
      %swap3A_296 = arith.constant 0 : index
      %swap3A_297 = vector.load %arg3[%swap3A_295, %swap3A_296] : memref<1024x8xf32, #tpu.memory_space<vmem>>, vector<128x8xf32>
      tpu.vector_store %arg3[%swap3A_295, %swap3A_296], %dot_general3A_294 {strides = array<i32>} : memref<1024x8xf32, #tpu.memory_space<vmem>>, vector<128x8xf32>,
    } else {
    }
    return
  }
  func.func @transform_0(%arg0: i32) -> (i32, i32) {
    %c0_i32 = arith.constant 0 : i32
    %c0_i32_0 = arith.constant 0 : i32
    return %arg0, %c0_i32 : i32, i32
  }
  func.func @transform_1(%arg0: i32) -> (i32, i32) {
    %c0_i32 = arith.constant 0 : i32
    %c0_i32_0 = arith.constant 0 : i32
    return %arg0, %c0_i32 : i32, i32
  }
  func.func @transform_2(%arg0: i32) -> (i32, i32) {
    %c0_i32 = arith.constant 0 : i32
    %c0_i32_0 = arith.constant 0 : i32
    %c0_i32_1 = arith.constant 0 : i32
    return %c0_i32, %c0_i32_0 : i32, i32
  }
}

</mosaic_0001>

<sc_bundles>
// kernel: kernel.6.cloned.1.call-start
scs
__scs_entry_jumppad:
0x0: {  	(pc) =	sbr.rel $0x88, $3  }
0x1: {  	(tag) =	ssettag $0x0;
	lr =	simm.s32 $0x1  }
0x2: {  	[smem:$0x3F9F] =	sst lr;
	_ =	strace $0xD0000000  }
0x3: {  	_ = 	snop  }
0x4: {  	_ = 	snop  }
0x5: {  	_ = 	snop  }
0x6: {  	_ = 	snop  }
0x7: {  	_ = 	snop  }
__scs_overlays_trampoline_lowered:
0x8: {  	[smem:$0x3FAE] =	sst s0  }
0x9: {  	[smem:$0x3FAF] =	sst s1  }
0xa: {  	[smem:$0x3FB0] =	sst s2  }
0xb: {  	[smem:$0x3FB1] =	sst s3  }
0xc: {  	[smem:$0x3FB2] =	sst s4  }
0xd: {  	[smem:$0x3FB3] =	sst s5  }
0xe: {  	[smem:$0x3FB4] =	sst s6  }
0xf: {  	[smem:$0x3FB5] =	sst s7  }
0x10: {  	[smem:$0x3FB6] =	sst s8  }
0x11: {  	[smem:$0x3FB7] =	sst s9;
	s0 =	simm.s32 @!p0 $0x0  }
0x12: {  	s1 =	sld [smem:$0x3F9D];
	s0 =	simm.s32 @p0 $0x1  }
0x13: {  	[smem:$0x3FB8] =	sst s0;
	s0 =	simm.s32 @!p1 $0x0  }
0x14: {  	s2 =	sld [smem:$0x3F9C];
	s0 =	simm.s32 @p1 $0x1  }
0x15: {  	[smem:$0x3FB9] =	sst s0;
	s0 =	simm.s32 @!p2 $0x0  }
0x16: {  	s3 =	sld [smem:$0x3FDB];
	s0 =	simm.s32 @p2 $0x1  }
0x17: {  	s4 =	simm.s32 $0x1BF5;
	[smem:$0x3FBB] =	sst s0  }
0x18: {  	s0 =	sld [smem:$0x3F9E];
	_ =	swait.ge [sflag:s4], $0x0  }
0x19: {  	s7 =	sld [smem:$0x3F9F]  }
0x1a: {  	s8 =	sadd.s32 $0xFFFFE003, lr  }
0x1b: {  	s9 =	sadd.s32 $0xFFFFFEF7, lr;
	s5 =	simm.s32 $0xFFFFFFFF;
	p2 =	slt.u32 s8, $0xFFFFF086  }
0x1c: {  	p1 =	slt.u32 s9, $0xF7A;
	s5 =	simm.s32 @!p2 $0x0  }
0x1d: {  	s5 =	simm.s32 @p1 $0x1;
	p0 =	seq.s32 s7, s2  }
0x1e: {  	s7 =	smul.u32 @!p0 $0xF7A, s2;
	p2 =	seq.s32 @!p0 s5, $0x0  }
0x1f: {  	s9 =	smul.u32 $0xF7A, s1;
	s8 =	simm.s32 @!p0 $0x1BF5;
	p2 =	por !p2, p0  }
0x20: {  	[sflag:s8] =	ssyncset.s32 @!p0 $0xFFFFF086;
	s6 =	sadd.s32 @!p0 s3, s7;
	s7 =	simm.s32 @!p0 $0x108  }
0x21: {  	s3 =	sadd.s32 s3, s9;
	s6 =	sadd.s32 @!p0 $0x88, s6;
	s7 =	simm.s32 @p2 $0x1082  }
0x22: {  	[simem:s7], [sflag:s8] =	dma.local @!p0 [hbm:s6], $0xF7A  }
0x23: {  	s9 =	sor.u32 $0xD0000000, s2;
	s6 =	simm.s32 $0x108;
	_ =	swait.ge @!p0 [sflag:s8], $0x0  }
0x24: {  	s3 =	sadd.s32 $0x88, s3;
	s6 =	simm.s32 @!p1 $0x1082;
	[sflag:s4] =	ssyncset.s32 $0xFFFFF086  }
0x25: {  	[simem:s6], [sflag:s4] =	dma.local [hbm:s3], $0xF7A  }
0x26: {  	[smem:$0x3F9F] =	sst s1;
	(tag) =	ssettag s2;
	_ =	strace s9  }
0x27: {  	s1 =	sld [smem:$0x3FAF]  }
0x28: {  	s2 =	sld [smem:$0x3FB0]  }
0x29: {  	s4 =	sld [smem:$0x3FB2]  }
0x2a: {  	p0 =	seq.s32 s5, $0x0;
	s5 =	sld [smem:$0x3FB3]  }
0x2b: {  	s6 =	sld [smem:$0x3FB4]  }
0x2c: {  	s7 =	sld [smem:$0x3FB5]  }
0x2d: {  	s3 =	simm.s32 $0x108;
	s8 =	sld [smem:$0x3FB6]  }
0x2e: {  	s3 =	simm.s32 @!p0 $0x1082;
	s9 =	sld [smem:$0x3FB7]  }
0x2f: {  	lr =	sadd.s32 s0, s3;
	s0 =	sld [smem:$0x3FAE]  }
0x30: {  	s3 =	sld [smem:$0x3FB1]  }
0x31: {  	[smem:$0x3FBA] =	sst s10  }
0x32: {  	s10 =	sld [smem:$0x3FB8];
	_ =	sdelay $0x3  }
0x33: {  	p0 =	seq.s32 s10, $0x1;
	s10 =	sld [smem:$0x3FBA];
	_ =	sdelay $0x3  }
0x34: {  	[smem:$0x3FBA] =	sst s10  }
0x35: {  	s10 =	sld [smem:$0x3FB9];
	_ =	sdelay $0x3  }
0x36: {  	p1 =	seq.s32 s10, $0x1;
	s10 =	sld [smem:$0x3FBA];
	_ =	sdelay $0x3  }
0x37: {  	[smem:$0x3FBA] =	sst s10  }
0x38: {  	s10 =	sld [smem:$0x3FBB]  }
0x39: {  	_ = 	snop;
	(pc) =	sbr.ind lr, $3  }
0x3a: {  	_ = 	snop  }
0x3b: {  	_ = 	snop  }
0x3c: {  	p2 =	seq.s32 s10, $0x1;
	s10 =	sld [smem:$0x3FBA]  }
0x3d: {  	_ =	shalt  }
0x3e: {  	_ =	shalt  }
0x3f: {  	_ =	shalt  }
0x40: {  	_ =	shalt  }
0x41: {  	_ =	shalt  }
0x42: {  	_ =	shalt  }
0x43: {  	_ =	shalt  }
0x44: {  	_ =	shalt  }
0x45: {  	_ =	shalt  }
0x46: {  	_ =	shalt  }
0x47: {  	_ =	shalt  }
0x48: {  	_ =	shalt  }
0x49: {  	_ =	shalt  }
0x4a: {  	_ =	shalt  }
0x4b: {  	_ =	shalt  }
0x4c: {  	_ =	shalt  }
0x4d: {  	_ =	shalt  }
0x4e: {  	_ =	shalt  }
0x4f: {  	_ =	shalt  }
0x50: {  	_ =	shalt  }
0x51: {  	_ =	shalt  }
0x52: {  	_ =	shalt  }
0x53: {  	_ =	shalt  }
0x54: {  	_ =	shalt  }
0x55: {  	_ =	shalt  }
0x56: {  	_ =	shalt  }
0x57: {  	_ =	shalt  }
0x58: {  	_ =	shalt  }
0x59: {  	_ =	shalt  }
0x5a: {  	_ =	shalt  }
0x5b: {  	_ =	shalt  }
0x5c: {  	_ =	shalt  }
0x5d: {  	_ =	shalt  }
0x5e: {  	_ =	shalt  }
0x5f: {  	_ =	shalt  }
0x60: {  	_ =	shalt  }
0x61: {  	_ =	shalt  }
0x62: {  	_ =	shalt  }
0x63: {  	_ =	shalt  }
0x64: {  	_ =	shalt  }
0x65: {  	_ =	shalt  }
0x66: {  	_ =	shalt  }
0x67: {  	_ =	shalt  }
0x68: {  	_ =	shalt  }
0x69: {  	_ =	shalt  }
0x6a: {  	_ =	shalt  }
0x6b: {  	_ =	shalt  }
0x6c: {  	_ =	shalt  }
0x6d: {  	_ =	shalt  }
0x6e: {  	_ =	shalt  }
0x6f: {  	_ =	shalt  }
0x70: {  	_ =	shalt  }
0x71: {  	_ =	shalt  }
0x72: {  	_ =	shalt  }
0x73: {  	_ =	shalt  }
0x74: {  	_ =	shalt  }
0x75: {  	_ =	shalt  }
0x76: {  	_ =	shalt  }
0x77: {  	_ =	shalt  }
0x78: {  	_ =	shalt  }
0x79: {  	_ =	shalt  }
0x7a: {  	_ =	shalt  }
0x7b: {  	_ =	shalt  }
0x7c: {  	_ =	shalt  }
0x7d: {  	_ =	shalt  }
0x7e: {  	_ =	shalt  }
0x7f: {  	_ =	shalt  }
0x80: {  	_ =	shalt  }
0x81: {  	_ =	shalt  }
0x82: {  	_ =	shalt  }
0x83: {  	_ =	shalt  }
0x84: {  	_ =	shalt  }
0x85: {  	_ =	shalt  }
0x86: {  	_ =	shalt  }
0x87: {  	_ =	shalt  }
.Lfunc_end0:
.L_simem_size_0:
called_computation_lowered:
.L_overlay_start_0:
0x88: {  	s2 =	sld [smem:$0x3FD9]  }
0x89: {  	s3 =	sld [smem:$0x3FFE];
	_ =	sdelay $0x1  }
0x8a: {  	s1 =	srdreg.scid  }
0x8b: {  	s0 =	sand.u32 $0x1, s1  }
0x8c: {  	s16 =	sshll.u32 s0, $0xA;
	s2 =	sadd.s32 s3, s2  }
0x8d: {  	s2 =	sadd.s32 s2, s16  }
0x8e: {  	[smem:$0x3FC6] =	sst s2  }
0x8f: {  	_ = 	snop  }
0x90: {  	(tm) =	ssettm $0x1  }
0x91: {  	s17 =	sld [smem:$0x3FFB];
	_ =	sdelay $0x3  }
0x92: {  	_ =	strace s17  }
0x93: {  	s2 =	sld [smem:$0x3FFC];
	_ =	sdelay $0x3  }
0x94: {  	_ =	strace s2  }
0x95: {  	s2 =	sld [smem:$0x3FFD];
	_ =	sdelay $0x3  }
0x96: {  	_ =	strace s2  }
0x97: {  	_ =	strace $0x8FFFFFFF  }
0x98: {  	s18 =	sld [smem:$0x3FDB];
	_ =	sdelay $0x1  }
0x99: {  	s19 =	simm.s32 $_scs_section_size  }
0x9a: {  	s4 =	simm.s32 $_size__tile_overlayer_lowered;
	s5 =	simm.s32 $_tile_overlayer_lowered  }
0x9b: {  	s22 =	simm.s32 $0x1BFF;
	s21 =	sshll.u32 s5, $0x1;
	s2 =	sadd.s32 s19, s18  }
0x9c: {  	s6 =	simm.s32 $0x0;
	s20 =	sshll.u32 s4, $0x1;
	s4 =	sadd.s32 s21, s2  }
0x9d: {  	[timem:s6], [sflag:s22] =	dma.local [hbm:s4], s20  }
0x9e: {  	_ =	swait.ge [sflag:s22], s20  }
0x9f: {  	s3 =	ssub.s32 $0x0, s20;
	[sflag:s22] =	ssyncset.done $0x0  }
0xa0: {  	[sflag:s22] =	ssyncadd.s32 s3;
	_ =	sdelay $0x1  }
0xa1: {  	s23 =	simm.s32 $0x1B8B  }
0xa2: {  	_ =	swait.ge [sflag:s23], $0x1  }
0xa3: {  	[sflag:s23] =	ssyncset.done $0x0  }
0xa4: {  	s25 =	simm.s32 $0x1B8E;
	s24 =	sld [smem:$0x3FFE];
	[sflag:s23] =	ssyncadd.s32 $0xFFFFFFFF  }
0xa5: {  	s26 =	simm.s32 $execute0_lowered;
	[smem:$0x3FD2] =	sst s25  }
0xa6: {  	s4 =	sshll.u32 s26, $0x1;
	_ =	strace $0x80000046;
	[dreg:$0x1] =	wrdreg $0xFFFFFFFF  }
0xa7: {  	s28 =	simm.s32 $_size_execute0_lowered;
	s2 =	sadd.s32 s2, s4;
	[dreg:$0x0] =	wrdreg $0x0  }
0xa8: {  	s4 =	sshll.u32 s28, $0x1;
	[dreg:$0x2] =	wrdreg s2  }
0xa9: {  	[dreg:$0x3] =	wrdreg s4  }
0xaa: {  	[dreg:$0x4] =	wrdreg $0xC0  }
0xab: {  	_ =	task [dreg:s6], $0x5FFFF  }
0xac: {  	[dreg:$0x1] =	wrdreg $0xFFFFFFFF  }
0xad: {  	[dreg:$0x0] =	wrdreg $0x60  }
0xae: {  	[dreg:$0x2] =	wrdreg s24  }
0xaf: {  	[dreg:$0x3] =	wrdreg $0x9  }
0xb0: {  	_ =	task.clear_ibuf [dreg:s6], $0x4FFFF;
	_ =	strace $0x90000046  }
0xb1: {  	s29 =	simm.s32 $0x9;
	_ =	strace $0x80000048  }
0xb2: {  	_ =	swait.ge [sflag:s29], $0x1  }
0xb3: {  	[sflag:s29] =	ssyncadd.s32 $0xFFFFFFFF  }
0xb4: {  	_ =	strace $0x90000048  }
0xb5: {  	_ =	sfence  }
0xb6: {  	s30 =	sld [smem:$0x0];
	_ =	sdelay $0x2  }
0xb7: {  	s31 =	sshll.u32 s1, $0xD;
	s1 =	sshrl.u32 s1, $0x2  }
0xb8: {  	s3 =	sand.u32 $0x4000, s31;
	s1 =	sadd.s32 s1, s30  }
0xb9: {  	s0 =	sor.u32 s3, s0;
	s1 =	sshll.u32 s1, $0x11  }
0xba: {  	s0 =	sor.u32 s1, s0  }
0xbb: {  	s0 =	sadd.s32 $0x8F2B, s0  }
0xbc: {  	[sflag:s0] =	ssyncadd.remote.s32 $0x1  }
0xbd: {  	_ =	sfence.sel $0xFFFF  }
0xbe: {  	[dreg:$0x0] =	wrdreg $0xFFFFFFFF;
	(pc) =	sbr.abs _section_cstart, $3  }
0xbf: {  	[dreg:$0x1] =	wrdreg $0xFFFFFFFF  }
0xc0: {  	_ =	task.clear_ibuf [dreg:s6], $0x2FFFF;
	_ =	strace $0x9FFFFFFF  }
0xc1: {  	(tm) =	ssettm $0x7FFFFFFF  }
tec
execute0_lowered:
.L_overlay_start_1:
0x0: {  	(tag) =	ssettag $0x1  }
0x1: {  	s0 =	srdreg.scid  }
0x2: {  	s8 =	stileid.u32;
	s1 =	rddreg [dreg:$0x0];
	s2 =	simm.s32 $0x0  }
0x3: {  	s11 =	simm.s32 $0x1;
	s12 =	simm.s32 $0x4300;
	s14 =	simm.s32 $0x4500  }
0x4: {  	s16 =	simm.s32 $0x4700;
	s18 =	simm.s32 $0x4900;
	s20 =	simm.s32 $0x4B00  }
0x5: {  	s21 =	simm.s32 $0x4B80;
	s23 =	simm.s32 $0x0;
	s0 =	sand.u32 $0x1, s0  }
0x6: {  	s3 =	sshll.u32 s8, $0x1;
	[smem:$0x7FF] =	sst s2;
	s10 =	smul.u32 $0x500, s8  }
0x7: {  	s3 =	sor.u32 s0, s3;
	s6 =	ssub.s32 $0x2, s0;
	s0 =	smul.u32 $0x280, s0  }
0x8: {  	_ =	strace $0x80000047;
	s4 =	smul.u32 $0x280, s3;
	s31 =	sshrl.u32 s6, $0x1  }
0x9: {  	s5 =	smul.u32 $0x140, s3;
	s3 =	sadd.s32 $0x600, s1;
	s9 =	ssub.s32 s6, s31  }
0xa: {  	s10 =	sadd.s32 s0, s10;
	s0 =	simm.s32 $0x4A80;
	s4 =	sshrl.u32 s4, $0x3  }
0xb: {  	s7 =	sadd.s32 s5, s1;
	s9 =	smax.u32 s9, $0x1;
	s1 =	sadd.s32 s4, s1  }
0xc: {  	s4 =	sadd.s32 $0x1000, s7;
	s5 =	sadd.s32 $0x1010, s7;
	s6 =	sadd.s32 $0x1020, s7  }
0xd: {  	s7 =	sadd.s32 $0x1030, s7;
	s8 =	sadd.s32 $0x3800, s1;
	s13 =	sadd.s32 $0x40, s4  }
0xe: {  	s15 =	sadd.s32 $0x80, s4;
	s17 =	sadd.s32 $0xC0, s4;
	s19 =	sadd.s32 $0x100, s4  }
0xf: {  	s22 =	sadd.s32 $0x40, s5;
	s24 =	sadd.s32 $0x80, s5;
	s1 =	simm.s32 $0x4880  }
.LBB2_1:
0x10: {  	[tilespmem:s2], [sflag:$0x1] =	stream.linear.gather [hbm4b:s3+s2], $0x4180, $0x38;
	[tilespmem:$0x4E00] =	vst v63  }
0x11: {  	_ =	swait.ge [sflag:s11], $0x4180  }
0x12: {  	[sflag:s11] =	ssyncset.done $0x0  }
0x13: {  	s25 =	simm.s32 $0x4180;
	[sflag:s11] =	ssyncadd.s32 $0xFFFFBE80  }
0x14: {  	[tilespmem:s25], [sflag:$0x1] =	stream.linear.gather [hbm4b:s4+s2], $0x80, $0x38;
	[tilespmem:$0x4E00] =	vst v63  }
0x15: {  	s26 =	simm.s32 $0x4380  }
0x16: {  	[tilespmem:s26], [sflag:$0x1] =	stream.linear.gather [hbm4b:s13+s2], $0x80, $0x38;
	[tilespmem:$0x4E00] =	vst v63  }
0x17: {  	s31 =	simm.s32 $0x4580  }
0x18: {  	[tilespmem:s31], [sflag:$0x1] =	stream.linear.gather [hbm4b:s15+s2], $0x80, $0x38;
	[tilespmem:$0x4E00] =	vst v63  }
0x19: {  	s26 =	simm.s32 $0x4780  }
0x1a: {  	[tilespmem:s26], [sflag:$0x1] =	stream.linear.gather [hbm4b:s17+s2], $0x80, $0x38;
	[tilespmem:$0x4E00] =	vst v63  }
0x1b: {  	s31 =	simm.s32 $0x4980  }
0x1c: {  	[tilespmem:s31], [sflag:$0x1] =	stream.linear.gather [hbm4b:s19+s2], $0x80, $0x38;
	[tilespmem:$0x4E00] =	vst v63  }
0x1d: {  	_ =	swait.ge [sflag:s11], $0x280  }
0x1e: {  	[sflag:s11] =	ssyncset.done $0x0  }
0x1f: {  	s26 =	simm.s32 $0x4200;
	[sflag:s11] =	ssyncadd.s32 $0xFFFFFD80  }
0x20: {  	[tilespmem:s26], [sflag:$0x1] =	stream.linear.gather [hbm4b:s5+s2], $0x80, $0x38;
	[tilespmem:$0x4E00] =	vst v63  }
0x21: {  	s31 =	simm.s32 $0x4400  }
0x22: {  	[tilespmem:s31], [sflag:$0x1] =	stream.linear.gather [hbm4b:s22+s2], $0x80, $0x38;
	[tilespmem:$0x4E00] =	vst v63  }
0x23: {  	s26 =	simm.s32 $0x4600  }
0x24: {  	[tilespmem:s26], [sflag:$0x1] =	stream.linear.gather [hbm4b:s24+s2], $0x80, $0x38;
	[tilespmem:$0x4E00] =	vst v63  }
0x25: {  	s31 =	sadd.s32 $0xC0, s5;
	s26 =	simm.s32 $0x4800  }
0x26: {  	[tilespmem:s26], [sflag:$0x1] =	stream.linear.gather [hbm4b:s31+s2], $0x80, $0x38;
	[tilespmem:$0x4E00] =	vst v63  }
0x27: {  	s26 =	sadd.s32 $0x100, s5;
	s31 =	simm.s32 $0x4A00  }
0x28: {  	[tilespmem:s31], [sflag:$0x1] =	stream.linear.gather [hbm4b:s26+s2], $0x80, $0x38;
	[tilespmem:$0x4E00] =	vst v63  }
0x29: {  	_ =	swait.ge [sflag:s11], $0x280  }
0x2a: {  	[sflag:s11] =	ssyncset.done $0x0  }
0x2b: {  	s31 =	simm.s32 $0x4280;
	[sflag:s11] =	ssyncadd.s32 $0xFFFFFD80  }
0x2c: {  	[tilespmem:s31], [sflag:$0x1] =	stream.linear.gather [hbm4b:s6+s2], $0x80, $0x38;
	[tilespmem:$0x4E00] =	vst v63  }
0x2d: {  	s26 =	sadd.s32 $0x40, s6;
	s31 =	simm.s32 $0x4480  }
0x2e: {  	[tilespmem:s31], [sflag:$0x1] =	stream.linear.gather [hbm4b:s26+s2], $0x80, $0x38;
	[tilespmem:$0x4E00] =	vst v63  }
0x2f: {  	s26 =	sadd.s32 $0x80, s6;
	s31 =	simm.s32 $0x4680  }
0x30: {  	[tilespmem:s31], [sflag:$0x1] =	stream.linear.gather [hbm4b:s26+s2], $0x80, $0x38;
	[tilespmem:$0x4E00] =	vst v63  }
0x31: {  	s26 =	sadd.s32 $0xC0, s6  }
0x32: {  	[tilespmem:s1], [sflag:$0x1] =	stream.linear.gather [hbm4b:s26+s2], $0x80, $0x38;
	[tilespmem:$0x4E00] =	vst v63  }
0x33: {  	s31 =	sadd.s32 $0x100, s6  }
0x34: {  	[tilespmem:s0], [sflag:$0x1] =	stream.linear.gather [hbm4b:s31+s2], $0x80, $0x38;
	[tilespmem:$0x4E00] =	vst v63  }
0x35: {  	_ =	swait.ge [sflag:s11], $0x280  }
0x36: {  	[sflag:s11] =	ssyncset.done $0x0  }
0x37: {  	[sflag:s11] =	ssyncadd.s32 $0xFFFFFD80  }
0x38: {  	[tilespmem:s12], [sflag:$0x1] =	stream.linear.gather [hbm4b:s7+s2], $0x80, $0x38;
	[tilespmem:$0x4E00] =	vst v63  }
0x39: {  	s26 =	sadd.s32 $0x40, s7  }
0x3a: {  	[tilespmem:s14], [sflag:$0x1] =	stream.linear.gather [hbm4b:s26+s2], $0x80, $0x38;
	[tilespmem:$0x4E00] =	vst v63  }
0x3b: {  	s31 =	sadd.s32 $0x80, s7  }
0x3c: {  	[tilespmem:s16], [sflag:$0x1] =	stream.linear.gather [hbm4b:s31+s2], $0x80, $0x38;
	[tilespmem:$0x4E00] =	vst v63  }
0x3d: {  	s26 =	sadd.s32 $0xC0, s7  }
0x3e: {  	[tilespmem:s18], [sflag:$0x1] =	stream.linear.gather [hbm4b:s26+s2], $0x80, $0x38;
	[tilespmem:$0x4E00] =	vst v63  }
0x3f: {  	s31 =	sadd.s32 $0x100, s7  }
0x40: {  	[tilespmem:s20], [sflag:$0x1] =	stream.linear.gather [hbm4b:s31+s2], $0x80, $0x38;
	[tilespmem:$0x4E00] =	vst v63  }
0x41: {  	_ =	swait.ge [sflag:s11], $0x280  }
0x42: {  	s26 =	sand.u32 $0x70, s2;
	s31 =	sand.u32 $0xE00, s2;
	[sflag:s11] =	ssyncset.done $0x0  }
0x43: {  	s28 =	simm.s32 $0x10;
	s30 =	sor.u32 s26, s31;
	[sflag:s11] =	ssyncadd.s32 $0xFFFFFD80  }
0x44: {  	s29 =	simm.s32 $0x0;
	s25 =	simm.s32 $0x0;
	s26 =	simm.s32 $0x0;
	v0 =	vld [tilespmem:s30+$0x4200]  }
.LBB2_2:
0x45: {  	p0 =	sne.s32 s28, $0x270;
	v1 =	vld [tilespmem:s30+$0x4180]  }
0x46: {  	v2 =	vld [tilespmem:s30+$0x4280]  }
0x47: {  	v3 =	vld [tilespmem:s30+$0x4300];
	_ =	sdelay $0x1  }
0x48: {  	v0 =	vmul.f32 $1.280000000e+02, v0  }
0x49: {  	v1 =	vmul.f32 $1.280000000e+02, v1  }
0x4a: {  	v0 =	vadd.f32 $1.258291200e+07, v0;
	v2 =	vmul.f32 $1.280000000e+02, v2  }
0x4b: {  	v1 =	vadd.f32 $1.258291200e+07, v1;
	v3 =	vmul.f32 $1.280000000e+02, v3  }
0x4c: {  	v0 =	vadd.f32 $-1.258291200e+07, v0;
	v2 =	vadd.f32 $1.258291200e+07, v2  }
0x4d: {  	v1 =	vadd.f32 $-1.258291200e+07, v1;
	v3 =	vadd.f32 $1.258291200e+07, v3  }
0x4e: {  	v0 =	vtrunc.f32 v0;
	v2 =	vadd.f32 $-1.258291200e+07, v2  }
0x4f: {  	v1 =	vtrunc.f32 v1;
	v0 =	vcvt.f32.s32 v0;
	v3 =	vadd.f32 $-1.258291200e+07, v3  }
0x50: {  	v1 =	vcvt.f32.s32 v1;
	v2 =	vtrunc.f32 v2  }
0x51: {  	v2 =	vcvt.f32.s32 v2;
	v3 =	vtrunc.f32 v3  }
0x52: {  	vm0 =	vgt.s32 v1, $0x0;
	v3 =	vcvt.f32.s32 v3  }
0x53: {  	v1 =	vnsel vm0, $0x0, v1;
	vm0 =	vgt.s32 v0, $0x0;
	vm1 =	vgt.s32 v2, $0x0  }
0x54: {  	v1 =	vmin.u32 v1, $0x80;
	v2 =	vnsel vm1, $0x0, v2;
	vm1 =	vgt.s32 v3, $0x0  }
0x55: {  	v2 =	vmin.u32 v2, $0x80;
	v3 =	vnsel vm1, $0x0, v3;
	v4 =	vmul.u32 $0x81, v1  }
0x56: {  	v0 =	vnsel vm0, $0x0, v0;
	v3 =	vmin.u32 v3, $0x80;
	v5 =	vmul.u32 $0x81, v2  }
0x57: {  	v0 =	vmin.u32 v0, $0x80;
	v6 =	vadd.s32 v4, v3  }
0x58: {  	v1 =	vsub.s32 v2, v1;
	v2 =	vsub.s32 v3, v0;
	v7 =	vadd.s32 v3, v5  }
0x59: {  	vm0 =	vgt.s32 v1, $0x0;
	vm1 =	vgt.s32 v2, $0x0  }
0x5a: {  	v3 =	vadd.s32 v0, v5;
	v1 =	vnsel vm0, $0x0, v1;
	v2 =	vnsel vm1, $0x0, v2  }
0x5b: {  	v1 =	vmul.u32 v1, v2  }
0x5c: {  	v0 =	vadd.s32 v0, v4;
	v2 =	vld.idx.msk [tilespmem:v6+s2+$0x0], $0xffff  }
0x5d: {  	v1 =	vcvt.s32.f32 v1;
	v4 =	vld.idx.msk [tilespmem:v7+s2+$0x0], $0xffff;
	_ =	sdelay $0x1  }
0x5e: {  	v3 =	vld.idx.msk [tilespmem:v3+s2+$0x0], $0xffff;
	(erf) = vrcp.f32 v1;
	_ =	sdelay $0x1  }
0x5f: {  	v0 =	vld.idx.msk [tilespmem:v0+s2+$0x0], $0xffff;
	_ =	sdelay $0x1  }
0x60: {  	v1 =	vsub.f32 v4, v2;
	_ =	sdelay $0x1  }
0x61: {  	v2 =	vsub.f32 v1, v3;
	_ =	sdelay $0x1  }
0x62: {  	v0 =	vadd.f32 v0, v2  }
0x63: {  	v1 =	vpop (erf)  }
.Ltmp0:
0x64: {  	s30 =	sadd.s32 s25, s10;
	s25 =	smov.u32 s28;
	v0 =	vmul.f32 v1, v0;
	(pc) =	sbr.rel @p0 .LBB2_2-.Ltmp0, $4  }
0x65: {  	s29 =	sadd.s32 $0x40, s29;
	p1 =	slt.u32 s30, $0x4E20  }
0x66: {  	s26 =	sshra.s32 s26, $0x2;
	s31 =	sand.u32 $0xE00, s29;
	s30 =	sand.u32 $0x70, s28;
	v0 =	vpsel !p1, $0xFF61B1E6, v0  }
0x67: {  	s30 =	sor.u32 s30, s31;
	[tilespmem:s26+$0x4B80] =	vst v0;
	s26 =	smov.u32 s29  }
0x68: {  	s28 =	sadd.s32 $0x10, s28;
	v0 =	vld [tilespmem:s30+$0x4200]  }
0x69: {  	v1 =	vld [tilespmem:s30+$0x4180]  }
0x6a: {  	v2 =	vld [tilespmem:s30+$0x4280]  }
0x6b: {  	v3 =	vld [tilespmem:s30+$0x4300];
	_ =	sdelay $0x3  }
0x6c: {  	v0 =	vmul.f32 $1.280000000e+02, v0;
	v1 =	vmul.f32 $1.280000000e+02, v1  }
0x6d: {  	v2 =	vmul.f32 $1.280000000e+02, v2;
	v3 =	vmul.f32 $1.280000000e+02, v3  }
0x6e: {  	v0 =	vadd.f32 $1.258291200e+07, v0;
	v1 =	vadd.f32 $1.258291200e+07, v1  }
0x6f: {  	v2 =	vadd.f32 $1.258291200e+07, v2;
	v3 =	vadd.f32 $1.258291200e+07, v3  }
0x70: {  	v0 =	vadd.f32 $-1.258291200e+07, v0;
	v1 =	vadd.f32 $-1.258291200e+07, v1  }
0x71: {  	v2 =	vadd.f32 $-1.258291200e+07, v2  }
0x72: {  	v3 =	vadd.f32 $-1.258291200e+07, v3;
	v0 =	vtrunc.f32 v0;
	v1 =	vtrunc.f32 v1  }
0x73: {  	v2 =	vtrunc.f32 v2;
	v0 =	vcvt.f32.s32 v0  }
0x74: {  	v3 =	vtrunc.f32 v3;
	v1 =	vcvt.f32.s32 v1  }
0x75: {  	v2 =	vcvt.f32.s32 v2;
	v3 =	vcvt.f32.s32 v3  }
0x76: {  	vm12 =	vgt.s32 v0, $0x0;
	vm0 =	vgt.s32 v1, $0x0  }
0x77: {  	vm1 =	vgt.s32 v2, $0x0;
	vm13 =	vgt.s32 v3, $0x0;
	v1 =	vnsel vm0, $0x0, v1  }
0x78: {  	v0 =	vnsel vm12, $0x0, v0;
	v2 =	vnsel vm1, $0x0, v2;
	v1 =	vmin.u32 v1, $0x80  }
0x79: {  	v3 =	vnsel vm13, $0x0, v3;
	v2 =	vmin.u32 v2, $0x80;
	v4 =	vmul.u32 $0x81, v1  }
0x7a: {  	v0 =	vmin.u32 v0, $0x80;
	v3 =	vmin.u32 v3, $0x80;
	v5 =	vmul.u32 $0x81, v2  }
0x7b: {  	v1 =	vsub.s32 v2, v1;
	v60 =	vsub.s32 v3, v0;
	v6 =	vadd.s32 v4, v3  }
0x7c: {  	vm14 =	vgt.s32 v1, $0x0;
	vm15 =	vgt.s32 v60, $0x0;
	v3 =	vadd.s32 v3, v5  }
0x7d: {  	v1 =	vnsel vm14, $0x0, v1;
	v2 =	vnsel vm15, $0x0, v60  }
0x7e: {  	v5 =	vadd.s32 v0, v5;
	v1 =	vmul.u32 v1, v2;
	_ =	sdelay $0x1  }
0x7f: {  	v0 =	vadd.s32 v0, v4;
	v1 =	vcvt.s32.f32 v1;
	v61 =	vld.idx.msk [tilespmem:v6+s2+$0x0], $0xffff  }
0x80: {  	v3 =	vld.idx.msk [tilespmem:v3+s2+$0x0], $0xffff  }
0x81: {  	(erf) = vrcp.f32 v1  }
0x82: {  	v62 =	vld.idx.msk [tilespmem:v5+s2+$0x0], $0xffff;
	_ =	sdelay $0x1  }
0x83: {  	v0 =	vld.idx.msk [tilespmem:v0+s2+$0x0], $0xffff  }
0x84: {  	v2 =	vsub.f32 v3, v61;
	_ =	sdelay $0x1  }
0x85: {  	v1 =	vsub.f32 v2, v62;
	_ =	sdelay $0x1  }
0x86: {  	v0 =	vadd.f32 v0, v1  }
0x87: {  	v63 =	vpop (erf)  }
0x88: {  	s25 =	sadd.s32 s25, s10;
	v0 =	vmul.f32 v63, v0  }
0x89: {  	s23 =	sadd.s32 $0x1, s23;
	p0 =	slt.u32 s25, $0x4E20  }
0x8a: {  	s31 =	sshra.s32 s26, $0x2;
	v0 =	vpsel !p0, $0xFF61B1E6, v0;
	p0 =	sne.s32 s23, s9  }
.Ltmp1:
0x8b: {  	[tilespmem:s31+$0x4B80] =	vst v0;
	(pc) =	sbr.rel @p0 .LBB2_1-.Ltmp1, $4  }
0x8c: {  	[hbm4b:s8+s2] =	stream.linear.scatter [tilespmem:s21], [sflag:$0x1], $0x280, $0x38;
	[tilespmem:$0x4E00] =	vst v63  }
0x8d: {  	_ =	swait.ge [sflag:s11], $0x280  }
0x8e: {  	[sflag:s11] =	ssyncset.done $0x0  }
0x8f: {  	[sflag:s11] =	ssyncadd.s32 $0xFFFFFD80  }
0x90: {  	_ =	sfence.sel $0x180000  }
0x91: {  	[bflag:$0x0] =	sbarrier.arrive $0xFFFF  }
0x92: {  	_ =	strace $0x90000047  }
0x93: {  	s0 =	stileid.u32;
	[bflag:$0x2] =	sbarrier.arrive $0xFFFF  }
0x94: {  	p0 =	sne.s32 s0, $0x0;
	s0 =	rddreg [dreg:$0x1]  }
0x95: {  	s0 =	sadd.s32 @!p0 $0x100000, s0  }
0x96: {  	[sflag:s0] =	ssyncadd.tile.s32 @!p0 $0x1;
	_ =	shalt  }
.Lfunc_end2:
_tile_overlayer_lowered:
.L_overlay_start_2:
0x97: {  	(tag) =	ssettag $0x2  }
0x98: {  	s0 =	rddreg [dreg:$0x0];
	s2 =	stileid.u32  }
0x99: {  	s1 =	rddreg [dreg:$0x1];
	p0 =	sne.s32 s2, $0x0  }
0x9a: {  	s3 =	rddreg [dreg:$0x2];
	[bflag:$0x3] =	sbarrier.arrive $0xFFFF;
	s2 =	simm.s32 @!p0 $0x1C01  }
0x9b: {  	[timem:s3], [sflag:s2] =	dma.local @!p0 [hbm:s0], s1  }
0x9c: {  	s0 =	simm.s32 @!p0 $0x1  }
0x9d: {  	_ =	swait.ge @!p0 [sflag:s0], s1  }
0x9e: {  	s1 =	ssub.s32 @!p0 $0x0, s1;
	[sflag:s0] =	ssyncset.done @!p0 $0x0  }
0x9f: {  	[sflag:s0] =	ssyncadd.s32 @!p0 s1  }
0xa0: {  	[bflag:$0x3] =	sbarrier.arrive $0xFFFF  }
0xa1: {  	_ =	shalt  }

</sc_bundles>
